<compile_context>
chip_gen: v7x
topology: tpu7x:2x2x1
jax: 0.10.2.dev20260603
libtpu: 0.0.44.dev20260713+nightly
codegen_flags: <defaults>
</compile_context>

<pallas_src>
import functools
import math

import jax
import jax.numpy as jnp
from jax import lax
from jax.experimental import pallas as pl
from jax.experimental.pallas import tpu as pltpu
from jax.experimental.pallas import tpu_sc as plsc

NN = 10000
EE = 160000
DD = 128
NBASIS = 8
NRAD = 64
RMAX = 4.0
INV_SQRT_NAVG = 0.25

NC = 2
NS = 16
NWORK = NC * NS

E_PAD = 163840
EPW = E_PAD // NWORK
KCH = 128
N_PAD = 10240
STRIPE = N_PAD // NS
POS_STRIDE = 10240

_mesh = plsc.VectorSubcoreMesh(core_axis_name="c", subcore_axis_name="s")


@functools.partial(
    pl.kernel,
    out_type=jax.ShapeDtypeStruct((E_PAD,), jnp.float32),
    mesh=_mesh,
    compiler_params=pltpu.CompilerParams(needs_layout_passes=False),
    scratch_types=[
        pltpu.VMEM((3 * POS_STRIDE,), jnp.float32),
        pltpu.VMEM((EPW,), jnp.int32),
        pltpu.VMEM((EPW,), jnp.int32),
        pltpu.VMEM((EPW,), jnp.float32),
    ],
)
def _sc_edge_d2(pos_hbm, src_hbm, dst_hbm, out_hbm, pos_v, src_v, dst_v, out_v):
    c = lax.axis_index("c")
    s = lax.axis_index("s")
    wid = s * NC + c
    base = wid * EPW
    pltpu.sync_copy(pos_hbm, pos_v)
    pltpu.sync_copy(src_hbm.at[pl.ds(base, EPW)], src_v)
    pltpu.sync_copy(dst_hbm.at[pl.ds(base, EPW)], dst_v)

    def body(i, _):
        off = i * 16
        si = src_v[pl.ds(off, 16)]
        di = dst_v[pl.ds(off, 16)]
        acc = jnp.zeros((16,), jnp.float32)
        for kdim in range(3):
            shift = jnp.full((16,), kdim * POS_STRIDE, jnp.int32)
            a = plsc.load_gather(pos_v, [di + shift])
            b = plsc.load_gather(pos_v, [si + shift])
            d = a - b
            acc = acc + d * d
        out_v[pl.ds(off, 16)] = acc
        return 0

    lax.fori_loop(0, EPW // 16, body, 0)
    pltpu.sync_copy(out_v, out_hbm.at[pl.ds(base, EPW)])


NIT = EPW // KCH


@functools.partial(
    pl.kernel,
    out_type=jax.ShapeDtypeStruct((NC, N_PAD, DD), jnp.float32),
    mesh=_mesh,
    compiler_params=pltpu.CompilerParams(needs_layout_passes=False),
    scratch_types=[
        pltpu.VMEM((KCH,), jnp.int32),
        pltpu.VMEM((KCH,), jnp.int32),
        pltpu.VMEM((KCH, DD), jnp.float32),
        pltpu.VMEM((KCH, DD), jnp.float32),
        pltpu.VMEM((16, DD), jnp.float32),
        pltpu.VMEM_SHARED((N_PAD, DD), jnp.float32),
        pltpu.SemaphoreType.DMA,
    ],
)
def _sc_msg_agg(h_hbm, w_hbm, src_hbm, dst_hbm, out_hbm,
                src_v, dst_v, rows_v, w_v, z_v, agg_s, sem):
    c = lax.axis_index("c")
    s = lax.axis_index("s")
    wid = s * NC + c
    base = wid * EPW

    zero16 = jnp.zeros((16,), jnp.float32)

    def zfill(i, _):
        for j in range(DD // 16):
            z_v[i, pl.ds(j * 16, 16)] = zero16
        return 0

    lax.fori_loop(0, 16, zfill, 0)

    def zstripe(i, _):
        pltpu.sync_copy(z_v, agg_s.at[pl.ds(s * STRIPE + i * 16, 16), :])
        return 0

    lax.fori_loop(0, STRIPE // 16, zstripe, 0)
    plsc.subcore_barrier()

    def step(it, _):
        off = base + it * KCH
        pltpu.sync_copy(src_hbm.at[pl.ds(off, KCH)], src_v)
        pltpu.sync_copy(dst_hbm.at[pl.ds(off, KCH)], dst_v)
        cp = pltpu.async_copy(h_hbm.at[src_v], rows_v, sem)
        pltpu.sync_copy(w_hbm.at[pl.ds(off, KCH), :], w_v)
        cp.wait()

        @plsc.parallel_loop(0, KCH, step=1, unroll=4)
        def _(i):
            for j in range(DD // 16):
                sl = pl.ds(j * 16, 16)
                rows_v[i, sl] = rows_v[i, sl] * w_v[i, sl]
        pltpu.sync_copy(rows_v, agg_s.at[dst_v], add=True)
        return 0

    lax.fori_loop(0, EPW // KCH, step, 0)
    plsc.subcore_barrier()
    pltpu.sync_copy(agg_s.at[pl.ds(s * STRIPE, STRIPE), :],
                    out_hbm.at[c, pl.ds(s * STRIPE, STRIPE), :])


_EB = 4096


def _tc_radial_body(d2_ref, a0_ref, a1_ref, a2_ref, out_ref):
    d2b = d2_ref[0]
    r = jnp.sqrt(d2b + 1e-12)
    u = jnp.clip(r * (1.0 / RMAX), 0.0, 1.0)
    fc = 0.5 * (jnp.cos(jnp.float32(math.pi) * u) + 1.0)
    cb = lax.broadcasted_iota(jnp.int32, (NBASIS, _EB), 0).astype(jnp.float32) * (
        RMAX / (NBASIS - 1))
    diff = (jnp.broadcast_to(r, (NBASIS, _EB)) - cb) * (NBASIS / RMAX)
    rbT = jnp.exp(-(diff * diff)) * jnp.broadcast_to(fc, (NBASIS, _EB))
    rb = rbT.T
    h0 = jax.nn.silu(jnp.dot(rb, a0_ref[...], preferred_element_type=jnp.float32))
    h1 = jax.nn.silu(jnp.dot(h0, a1_ref[...], preferred_element_type=jnp.float32))
    out_ref[...] = jnp.dot(h1, a2_ref[...], preferred_element_type=jnp.float32)


def _tc_radial(d2_3d, a0, a1, a2):
    return pl.pallas_call(
        _tc_radial_body,
        grid=(E_PAD // _EB,),
        in_specs=[
            pl.BlockSpec((1, 1, _EB), lambda i: (i, 0, 0)),
            pl.BlockSpec((NBASIS, NRAD), lambda i: (0, 0)),
            pl.BlockSpec((NRAD, NRAD), lambda i: (0, 0)),
            pl.BlockSpec((NRAD, DD), lambda i: (0, 0)),
        ],
        out_specs=pl.BlockSpec((_EB, DD), lambda i: (i, 0)),
        out_shape=jax.ShapeDtypeStruct((E_PAD, DD), jnp.float32),
    )(d2_3d, a0, a1, a2)


_NB_ROWS = 1000


def _tc_self_body(h_ref, agg_ref, w_ref, out_ref, cs_ref):
    i = pl.program_id(0)
    agg = (agg_ref[0] + agg_ref[1]) * INV_SQRT_NAVG
    t = h_ref[...] + agg
    o = jax.nn.silu(jnp.dot(t, w_ref[...], preferred_element_type=jnp.float32))
    out_ref[...] = o

    @pl.when(i == 0)
    def _():
        cs_ref[...] = jnp.zeros_like(cs_ref)

    cs_ref[...] += jnp.sum(o, axis=0, keepdims=True)


def _tc_self(h, aggp, wself):
    return pl.pallas_call(
        _tc_self_body,
        grid=(NN // _NB_ROWS,),
        in_specs=[
            pl.BlockSpec((_NB_ROWS, DD), lambda i: (i, 0)),
            pl.BlockSpec((NC, _NB_ROWS, DD), lambda i: (0, i, 0)),
            pl.BlockSpec((DD, DD), lambda i: (0, 0)),
        ],
        out_specs=[
            pl.BlockSpec((_NB_ROWS, DD), lambda i: (i, 0)),
            pl.BlockSpec((1, DD), lambda i: (0, 0)),
        ],
        out_shape=[
            jax.ShapeDtypeStruct((NN, DD), jnp.float32),
            jax.ShapeDtypeStruct((1, DD), jnp.float32),
        ],
    )(h, aggp, wself)


_WO_PAD = 30720
_WO_BLK = 3072


def _tc_readout_body(cs_ref, w_ref, out_ref):
    m = cs_ref[...] * (1.0 / NN)
    out_ref[...] = jnp.dot(m, w_ref[...], preferred_element_type=jnp.float32)


def _tc_readout(cs, wout_p):
    return pl.pallas_call(
        _tc_readout_body,
        grid=(_WO_PAD // _WO_BLK,),
        in_specs=[
            pl.BlockSpec((1, DD), lambda i: (0, 0)),
            pl.BlockSpec((DD, _WO_BLK), lambda i: (0, i)),
        ],
        out_specs=pl.BlockSpec((1, _WO_BLK), lambda i: (0, i)),
        out_shape=jax.ShapeDtypeStruct((1, _WO_PAD), jnp.float32),
    )(cs, wout_p)


def kernel(pos, x, edge_index, Wself_0, Rw0_0, Rw1_0, Rw2_0,
           Wself_1, Rw0_1, Rw1_1, Rw2_1, Wout):
    src = edge_index[0]
    dst = edge_index[1]
    npad = E_PAD - EE
    srcp = jnp.concatenate([src, jnp.zeros((npad,), jnp.int32)])
    dstp = jnp.concatenate([dst, jnp.full((npad,), NN, jnp.int32)])

    pos_flat = jnp.zeros((3, POS_STRIDE), jnp.float32).at[:, :NN].set(pos.T)
    pos_flat = pos_flat.reshape(3 * POS_STRIDE)

    d2 = _sc_edge_d2(pos_flat, srcp, dstp)
    d2_3d = d2.reshape(E_PAD // _EB, 1, _EB)

    w0 = _tc_radial(d2_3d, Rw0_0, Rw1_0, Rw2_0)
    w1 = _tc_radial(d2_3d, Rw0_1, Rw1_1, Rw2_1)

    agg0 = _sc_msg_agg(x, w0, srcp, dstp)
    h1, _ = _tc_self(x, agg0, Wself_0)
    agg1 = _sc_msg_agg(h1, w1, srcp, dstp)
    _, cs = _tc_self(h1, agg1, Wself_1)

    wout_p = jnp.concatenate(
        [Wout, jnp.zeros((DD, _WO_PAD - 3 * NN), jnp.float32)], axis=1)
    outp = _tc_readout(cs, wout_p)
    return outp[0, :3 * NN].reshape(NN, 3)

# --- scband reference (transcript-rebuilt; emitter-appended) ---
"""Pipeline reference for scband-nacmodel-36189394436545 (READ-ONLY COPY).

The authoritative reference and input builder live on the scoring server;
editing this copy changes nothing except your own understanding.
"""

import jax, jax.numpy as jnp
import numpy as np

N = 10000
E = 160000
D = 128
NB = 8
NR = 64
MAX_RADIUS = 4.0
NAVG = 16.0


def setup_inputs(seed: int = 0) -> dict:
    key = jax.random.key(seed)
    ks = jax.random.split(key, 16)
    inp = {}
    inp['pos'] = jax.random.normal(ks[0], (N, 3), dtype=jnp.float32) * 5.0
    inp['x'] = jax.random.normal(ks[1], (N, D), dtype=jnp.float32)
    inp['edge_index'] = jax.random.randint(ks[2], (2, E), 0, N, dtype=jnp.int64 if jax.config.jax_enable_x64 else jnp.int32).astype(jnp.int32)
    # learned parameters (self-interaction + radial MLP per layer, final readout)
    inp['Wself_0'] = jax.random.normal(ks[3], (D, D), dtype=jnp.float32) / np.sqrt(D)
    inp['Rw0_0'] = jax.random.normal(ks[4], (NB, NR), dtype=jnp.float32) / np.sqrt(NB)
    inp['Rw1_0'] = jax.random.normal(ks[5], (NR, NR), dtype=jnp.float32) / np.sqrt(NR)
    inp['Rw2_0'] = jax.random.normal(ks[6], (NR, D), dtype=jnp.float32) / np.sqrt(NR)
    inp['Wself_1'] = jax.random.normal(ks[7], (D, D), dtype=jnp.float32) / np.sqrt(D)
    inp['Rw0_1'] = jax.random.normal(ks[8], (NB, NR), dtype=jnp.float32) / np.sqrt(NB)
    inp['Rw1_1'] = jax.random.normal(ks[9], (NR, NR), dtype=jnp.float32) / np.sqrt(NR)
    inp['Rw2_1'] = jax.random.normal(ks[10], (NR, D), dtype=jnp.float32) / np.sqrt(NR)
    inp['Wout'] = jax.random.normal(ks[11], (D, N * 3), dtype=jnp.float32) / np.sqrt(D)
    return inp


def _radial_basis(r):
    centers = jnp.linspace(0.0, MAX_RADIUS, NB)
    width = MAX_RADIUS / NB
    rb = jnp.exp(-((r[:, None] - centers[None, :]) / width) ** 2)
    u = jnp.clip(r / MAX_RADIUS, 0.0, 1.0)
    fc = 0.5 * (jnp.cos(np.pi * u) + 1.0)
    return rb * fc[:, None]


def _conv_layer(h, rb, src, dst, Wself, Rw0, Rw1, Rw2):
    w = jax.nn.silu(rb @ Rw0)
    w = jax.nn.silu(w @ Rw1)
    w = w @ Rw2  # [E, D] edge weights from radial network
    msg = jnp.take(h, src, axis=0) * w  # gather + modulate
    agg = jnp.zeros((N, D), dtype=h.dtype).at[dst].add(msg)  # scatter-add
    agg = agg / jnp.sqrt(NAVG)
    return jax.nn.silu((h + agg) @ Wself)


def reference(pos, x, edge_index, Wself_0, Rw0_0, Rw1_0, Rw2_0, Wself_1, Rw0_1, Rw1_1, Rw2_1, Wout):
    src = edge_index[0]
    dst = edge_index[1]
    vec = jnp.take(pos, dst, axis=0) - jnp.take(pos, src, axis=0)
    r = jnp.sqrt(jnp.sum(vec * vec, axis=-1) + 1e-12)
    rb = _radial_basis(r)
    h = x
    h = _conv_layer(h, rb, src, dst, Wself_0, Rw0_0, Rw1_0, Rw2_0)
    h = _conv_layer(h, rb, src, dst, Wself_1, Rw0_1, Rw1_1, Rw2_1)
    out = jnp.mean(h @ Wout, axis=0)  # global pool over nodes -> [N*3]
    return out.reshape(N, 3)

if __name__ == "__main__":
    import jax
    _d = setup_inputs()
    print(jax.jit(kernel)(*tuple(_d.values())))

</pallas_src>

<mosaic_0001>
#map = affine_map<(d0, d1) -> (0)>
module attributes {stable_mosaic.version = 14 : i64} {
  func.func @_sc_edge_d2(%arg0: i32, %arg1: i32, %arg2: memref<30720xf32, #tpu.memory_space<hbm>>, %arg3: memref<163840xi32, #tpu.memory_space<hbm>>, %arg4: memref<163840xi32, #tpu.memory_space<hbm>>, %arg5: memref<163840xf32, #tpu.memory_space<hbm>>, %arg6: memref<30720xf32, #tpu.memory_space<vmem>>, %arg7: memref<5120xi32, #tpu.memory_space<vmem>>, %arg8: memref<5120xi32, #tpu.memory_space<vmem>>, %arg9: memref<5120xf32, #tpu.memory_space<vmem>>) attributes {dimension_semantics = [#tpu.dimension_semantics<core_parallel>, #tpu.dimension_semantics<subcore_parallel>], iteration_bounds = array<i64: 2, 16>, scalar_prefetch = 0 : i64, scratch_operands = 4 : i64, tpu.core_type = #tpu.core_type<sc_vector_subcore>, window_params = [{transform_indices = #map}, {transform_indices = #map}, {transform_indices = #map}, {transform_indices = #map}]} {
    %mul3A = arith.constant 2 : i32
    %mul3A_0 = arith.muli %arg1, %mul3A : i32
    %add3A = arith.addi %mul3A_0, %arg0 : i32
    %mul3A_1 = arith.constant 5120 : i32
    %mul3A_2 = arith.muli %add3A, %mul3A_1 : i32
    "tpu.region"() ({
      %run_scoped3A = tpu.sem_alloc : memref<!tpu.dma_semaphore, #tpu.memory_space<semaphore_mem>>
      tpu.enqueue_dma source(%arg2 : memref<30720xf32, #tpu.memory_space<hbm>>) target(%arg6 : memref<30720xf32, #tpu.memory_space<vmem>>) target_semaphore(%run_scoped3A : memref<!tpu.dma_semaphore, #tpu.memory_space<semaphore_mem>>)
      tpu.wait_dma2 semaphore(%run_scoped3A : memref<!tpu.dma_semaphore, #tpu.memory_space<semaphore_mem>>) src(%arg2 : memref<30720xf32, #tpu.memory_space<hbm>>) dst(%arg6 : memref<30720xf32, #tpu.memory_space<vmem>>)
      tpu.yield
    }) : () -> ()
    "tpu.region"() ({
      %run_scoped3A = tpu.sem_alloc : memref<!tpu.dma_semaphore, #tpu.memory_space<semaphore_mem>>
      %dma_start3A = tpu.memref_slice %arg3[%mul3A_2] : memref<163840xi32, #tpu.memory_space<hbm>> -> memref<5120xi32, #tpu.memory_space<hbm>>
      %dma_start3A_9 = tpu.memref_slice %arg3[%mul3A_2] : memref<163840xi32, #tpu.memory_space<hbm>> -> memref<5120xi32, #tpu.memory_space<hbm>>
      tpu.enqueue_dma source(%dma_start3A_9 : memref<5120xi32, #tpu.memory_space<hbm>>) target(%arg7 : memref<5120xi32, #tpu.memory_space<vmem>>) target_semaphore(%run_scoped3A : memref<!tpu.dma_semaphore, #tpu.memory_space<semaphore_mem>>)
      %dma_wait3A = tpu.memref_slice %arg3[%mul3A_2] : memref<163840xi32, #tpu.memory_space<hbm>> -> memref<5120xi32, #tpu.memory_space<hbm>>
      %dma_wait3A_10 = tpu.memref_slice %arg3[%mul3A_2] : memref<163840xi32, #tpu.memory_space<hbm>> -> memref<5120xi32, #tpu.memory_space<hbm>>
      tpu.wait_dma2 semaphore(%run_scoped3A : memref<!tpu.dma_semaphore, #tpu.memory_space<semaphore_mem>>) src(%dma_wait3A_10 : memref<5120xi32, #tpu.memory_space<hbm>>) dst(%arg7 : memref<5120xi32, #tpu.memory_space<vmem>>)
      tpu.yield
    }) : () -> ()
    "tpu.region"() ({
      %run_scoped3A = tpu.sem_alloc : memref<!tpu.dma_semaphore, #tpu.memory_space<semaphore_mem>>
      %dma_start3A = tpu.memref_slice %arg4[%mul3A_2] : memref<163840xi32, #tpu.memory_space<hbm>> -> memref<5120xi32, #tpu.memory_space<hbm>>
      %dma_start3A_9 = tpu.memref_slice %arg4[%mul3A_2] : memref<163840xi32, #tpu.memory_space<hbm>> -> memref<5120xi32, #tpu.memory_space<hbm>>
      tpu.enqueue_dma source(%dma_start3A_9 : memref<5120xi32, #tpu.memory_space<hbm>>) target(%arg8 : memref<5120xi32, #tpu.memory_space<vmem>>) target_semaphore(%run_scoped3A : memref<!tpu.dma_semaphore, #tpu.memory_space<semaphore_mem>>)
      %dma_wait3A = tpu.memref_slice %arg4[%mul3A_2] : memref<163840xi32, #tpu.memory_space<hbm>> -> memref<5120xi32, #tpu.memory_space<hbm>>
      %dma_wait3A_10 = tpu.memref_slice %arg4[%mul3A_2] : memref<163840xi32, #tpu.memory_space<hbm>> -> memref<5120xi32, #tpu.memory_space<hbm>>
      tpu.wait_dma2 semaphore(%run_scoped3A : memref<!tpu.dma_semaphore, #tpu.memory_space<semaphore_mem>>) src(%dma_wait3A_10 : memref<5120xi32, #tpu.memory_space<hbm>>) dst(%arg8 : memref<5120xi32, #tpu.memory_space<vmem>>)
      tpu.yield
    }) : () -> ()
    %scan3A = arith.constant 0 : i32
    %scan3A_3 = arith.constant 0 : i32
    %scan3A_4 = arith.constant 320 : i32
    %scan3A_5 = arith.addi %scan3A_3, %scan3A_4 : i32
    %scan3A_6 = arith.constant 1 : i32
    %scan3A_7 = scf.for %scan3A_9 = %scan3A_3 to %scan3A_5 step %scan3A_6 iter_args(%scan3A_10 = %scan3A) -> (i32)  : i32 {
      %mul3A_11 = arith.constant 16 : i32
      %mul3A_12 = arith.muli %scan3A_9, %mul3A_11 : i32
      %get3A = arith.index_cast %mul3A_12 : i32 to index
      %get3A_13 = tpu.vector_load %arg7[%get3A] {strides = array<i32>} : memref<5120xi32, #tpu.memory_space<vmem>>, vector<16xi32>,
      %get3A_14 = arith.index_cast %mul3A_12 : i32 to index
      %get3A_15 = tpu.vector_load %arg8[%get3A_14] {strides = array<i32>} : memref<5120xi32, #tpu.memory_space<vmem>>, vector<16xi32>,
      %broadcast_in_dim3A = arith.constant 0.000000e+00 : f32
      %broadcast_in_dim3A_16 = vector.broadcast %broadcast_in_dim3A : f32 to vector<16xf32>
      %broadcast_in_dim3A_17 = arith.constant 0 : i32
      %broadcast_in_dim3A_18 = vector.broadcast %broadcast_in_dim3A_17 : i32 to vector<16xi32>
      %add3A_19 = arith.addi %get3A_15, %broadcast_in_dim3A_18 : vector<16xi32>
      %gather3A = tpu.vector_load_idx %arg6[%add3A_19] : memref<30720xf32, #tpu.memory_space<vmem>>[vector<16xi32>], vector<16xf32>,
      %add3A_20 = arith.addi %get3A_13, %broadcast_in_dim3A_18 : vector<16xi32>
      %gather3A_21 = tpu.vector_load_idx %arg6[%add3A_20] : memref<30720xf32, #tpu.memory_space<vmem>>[vector<16xi32>], vector<16xf32>,
      %sub3A = arith.subf %gather3A, %gather3A_21 : vector<16xf32>
      %mul3A_22 = arith.mulf %sub3A, %sub3A : vector<16xf32>
      %add3A_23 = arith.addf %broadcast_in_dim3A_16, %mul3A_22 : vector<16xf32>
      %broadcast_in_dim3A_24 = arith.constant 10240 : i32
      %broadcast_in_dim3A_25 = vector.broadcast %broadcast_in_dim3A_24 : i32 to vector<16xi32>
      %add3A_26 = arith.addi %get3A_15, %broadcast_in_dim3A_25 : vector<16xi32>
      %gather3A_27 = tpu.vector_load_idx %arg6[%add3A_26] : memref<30720xf32, #tpu.memory_space<vmem>>[vector<16xi32>], vector<16xf32>,
      %add3A_28 = arith.addi %get3A_13, %broadcast_in_dim3A_25 : vector<16xi32>
      %gather3A_29 = tpu.vector_load_idx %arg6[%add3A_28] : memref<30720xf32, #tpu.memory_space<vmem>>[vector<16xi32>], vector<16xf32>,
      %sub3A_30 = arith.subf %gather3A_27, %gather3A_29 : vector<16xf32>
      %mul3A_31 = arith.mulf %sub3A_30, %sub3A_30 : vector<16xf32>
      %add3A_32 = arith.addf %add3A_23, %mul3A_31 : vector<16xf32>
      %broadcast_in_dim3A_33 = arith.constant 20480 : i32
      %broadcast_in_dim3A_34 = vector.broadcast %broadcast_in_dim3A_33 : i32 to vector<16xi32>
      %add3A_35 = arith.addi %get3A_15, %broadcast_in_dim3A_34 : vector<16xi32>
      %gather3A_36 = tpu.vector_load_idx %arg6[%add3A_35] : memref<30720xf32, #tpu.memory_space<vmem>>[vector<16xi32>], vector<16xf32>,
      %add3A_37 = arith.addi %get3A_13, %broadcast_in_dim3A_34 : vector<16xi32>
      %gather3A_38 = tpu.vector_load_idx %arg6[%add3A_37] : memref<30720xf32, #tpu.memory_space<vmem>>[vector<16xi32>], vector<16xf32>,
      %sub3A_39 = arith.subf %gather3A_36, %gather3A_38 : vector<16xf32>
      %mul3A_40 = arith.mulf %sub3A_39, %sub3A_39 : vector<16xf32>
      %add3A_41 = arith.addf %add3A_32, %mul3A_40 : vector<16xf32>
      %swap3A = arith.index_cast %mul3A_12 : i32 to index
      %swap3A_42 = tpu.vector_load %arg9[%swap3A] {strides = array<i32>} : memref<5120xf32, #tpu.memory_space<vmem>>, vector<16xf32>,
      tpu.vector_store %arg9[%swap3A], %add3A_41 {strides = array<i32>} : memref<5120xf32, #tpu.memory_space<vmem>>, vector<16xf32>,
      %scan3A_43 = arith.constant 0 : i32
      scf.yield %scan3A_43 : i32
    }
    %scan3A_8 = arith.constant 320 : i32
    "tpu.region"() ({
      %run_scoped3A = tpu.sem_alloc : memref<!tpu.dma_semaphore, #tpu.memory_space<semaphore_mem>>
      %dma_start3A = tpu.memref_slice %arg5[%mul3A_2] : memref<163840xf32, #tpu.memory_space<hbm>> -> memref<5120xf32, #tpu.memory_space<hbm>>
      %dma_start3A_9 = tpu.memref_slice %arg5[%mul3A_2] : memref<163840xf32, #tpu.memory_space<hbm>> -> memref<5120xf32, #tpu.memory_space<hbm>>
      tpu.enqueue_dma source(%arg9 : memref<5120xf32, #tpu.memory_space<vmem>>) target(%dma_start3A_9 : memref<5120xf32, #tpu.memory_space<hbm>>) target_semaphore(%run_scoped3A : memref<!tpu.dma_semaphore, #tpu.memory_space<semaphore_mem>>)
      %dma_wait3A = tpu.memref_slice %arg5[%mul3A_2] : memref<163840xf32, #tpu.memory_space<hbm>> -> memref<5120xf32, #tpu.memory_space<hbm>>
      %dma_wait3A_10 = tpu.memref_slice %arg5[%mul3A_2] : memref<163840xf32, #tpu.memory_space<hbm>> -> memref<5120xf32, #tpu.memory_space<hbm>>
      tpu.wait_dma2 semaphore(%run_scoped3A : memref<!tpu.dma_semaphore, #tpu.memory_space<semaphore_mem>>) src(%arg9 : memref<5120xf32, #tpu.memory_space<vmem>>) dst(%dma_wait3A_10 : memref<5120xf32, #tpu.memory_space<hbm>>)
      tpu.yield
    }) : () -> ()
    return
  }
}

#map = affine_map<(d0, d1) -> (0, 0)>
#map1 = affine_map<(d0, d1) -> (0)>
#map2 = affine_map<(d0, d1) -> (0, 0, 0)>
module attributes {stable_mosaic.version = 14 : i64} {
  func.func @_sc_msg_agg(%arg0: i32, %arg1: i32, %arg2: memref<10000x128xf32, #tpu.memory_space<hbm>>, %arg3: memref<163840x128xf32, #tpu.memory_space<hbm>>, %arg4: memref<163840xi32, #tpu.memory_space<hbm>>, %arg5: memref<163840xi32, #tpu.memory_space<hbm>>, %arg6: memref<2x10240x128xf32, #tpu.memory_space<hbm>>, %arg7: memref<128xi32, #tpu.memory_space<vmem>>, %arg8: memref<128xi32, #tpu.memory_space<vmem>>, %arg9: memref<128x128xf32, #tpu.memory_space<vmem>>, %arg10: memref<128x128xf32, #tpu.memory_space<vmem>>, %arg11: memref<16x128xf32, #tpu.memory_space<vmem>>, %arg12: memref<10240x128xf32, #tpu.memory_space<vmem_shared>>, %arg13: memref<!tpu.dma_semaphore, #tpu.memory_space<semaphore_mem>>) attributes {dimension_semantics = [#tpu.dimension_semantics<core_parallel>, #tpu.dimension_semantics<subcore_parallel>], iteration_bounds = array<i64: 2, 16>, scalar_prefetch = 0 : i64, scratch_operands = 7 : i64, tpu.core_type = #tpu.core_type<sc_vector_subcore>, window_params = [{transform_indices = #map}, {transform_indices = #map}, {transform_indices = #map1}, {transform_indices = #map1}, {transform_indices = #map2}]} {
    %mul3A = arith.constant 2 : i32
    %mul3A_0 = arith.muli %arg1, %mul3A : i32
    %add3A = arith.addi %mul3A_0, %arg0 : i32
    %mul3A_1 = arith.constant 5120 : i32
    %mul3A_2 = arith.muli %add3A, %mul3A_1 : i32
    %broadcast_in_dim3A = arith.constant 0.000000e+00 : f32
    %broadcast_in_dim3A_3 = vector.broadcast %broadcast_in_dim3A : f32 to vector<16xf32>
    %scan3A = arith.constant 0 : i32
    %scan3A_4 = arith.constant 0 : i32
    %scan3A_5 = arith.constant 16 : i32
    %scan3A_6 = arith.addi %scan3A_4, %scan3A_5 : i32
    %scan3A_7 = arith.constant 1 : i32
    %scan3A_8 = scf.for %scan3A_29 = %scan3A_4 to %scan3A_6 step %scan3A_7 iter_args(%scan3A_30 = %scan3A) -> (i32)  : i32 {
      %swap3A = arith.index_cast %scan3A_29 : i32 to index
      %swap3A_31 = arith.constant 0 : index
      %swap3A_32 = tpu.vector_load %arg11[%swap3A, %swap3A_31] {strides = array<i32>} : memref<16x128xf32, #tpu.memory_space<vmem>>, vector<16xf32>,
      tpu.vector_store %arg11[%swap3A, %swap3A_31], %broadcast_in_dim3A_3 {strides = array<i32>} : memref<16x128xf32, #tpu.memory_space<vmem>>, vector<16xf32>,
      %swap3A_33 = arith.index_cast %scan3A_29 : i32 to index
      %swap3A_34 = arith.constant 16 : index
      %swap3A_35 = tpu.vector_load %arg11[%swap3A_33, %swap3A_34] {strides = array<i32>} : memref<16x128xf32, #tpu.memory_space<vmem>>, vector<16xf32>,
      tpu.vector_store %arg11[%swap3A_33, %swap3A_34], %broadcast_in_dim3A_3 {strides = array<i32>} : memref<16x128xf32, #tpu.memory_space<vmem>>, vector<16xf32>,
      %swap3A_36 = arith.index_cast %scan3A_29 : i32 to index
      %swap3A_37 = arith.constant 32 : index
      %swap3A_38 = tpu.vector_load %arg11[%swap3A_36, %swap3A_37] {strides = array<i32>} : memref<16x128xf32, #tpu.memory_space<vmem>>, vector<16xf32>,
      tpu.vector_store %arg11[%swap3A_36, %swap3A_37], %broadcast_in_dim3A_3 {strides = array<i32>} : memref<16x128xf32, #tpu.memory_space<vmem>>, vector<16xf32>,
      %swap3A_39 = arith.index_cast %scan3A_29 : i32 to index
      %swap3A_40 = arith.constant 48 : index
      %swap3A_41 = tpu.vector_load %arg11[%swap3A_39, %swap3A_40] {strides = array<i32>} : memref<16x128xf32, #tpu.memory_space<vmem>>, vector<16xf32>,
      tpu.vector_store %arg11[%swap3A_39, %swap3A_40], %broadcast_in_dim3A_3 {strides = array<i32>} : memref<16x128xf32, #tpu.memory_space<vmem>>, vector<16xf32>,
      %swap3A_42 = arith.index_cast %scan3A_29 : i32 to index
      %swap3A_43 = arith.constant 64 : index
      %swap3A_44 = tpu.vector_load %arg11[%swap3A_42, %swap3A_43] {strides = array<i32>} : memref<16x128xf32, #tpu.memory_space<vmem>>, vector<16xf32>,
      tpu.vector_store %arg11[%swap3A_42, %swap3A_43], %broadcast_in_dim3A_3 {strides = array<i32>} : memref<16x128xf32, #tpu.memory_space<vmem>>, vector<16xf32>,
      %swap3A_45 = arith.index_cast %scan3A_29 : i32 to index
      %swap3A_46 = arith.constant 80 : index
      %swap3A_47 = tpu.vector_load %arg11[%swap3A_45, %swap3A_46] {strides = array<i32>} : memref<16x128xf32, #tpu.memory_space<vmem>>, vector<16xf32>,
      tpu.vector_store %arg11[%swap3A_45, %swap3A_46], %broadcast_in_dim3A_3 {strides = array<i32>} : memref<16x128xf32, #tpu.memory_space<vmem>>, vector<16xf32>,
      %swap3A_48 = arith.index_cast %scan3A_29 : i32 to index
      %swap3A_49 = arith.constant 96 : index
      %swap3A_50 = tpu.vector_load %arg11[%swap3A_48, %swap3A_49] {strides = array<i32>} : memref<16x128xf32, #tpu.memory_space<vmem>>, vector<16xf32>,
      tpu.vector_store %arg11[%swap3A_48, %swap3A_49], %broadcast_in_dim3A_3 {strides = array<i32>} : memref<16x128xf32, #tpu.memory_space<vmem>>, vector<16xf32>,
      %swap3A_51 = arith.index_cast %scan3A_29 : i32 to index
      %swap3A_52 = arith.constant 112 : index
      %swap3A_53 = tpu.vector_load %arg11[%swap3A_51, %swap3A_52] {strides = array<i32>} : memref<16x128xf32, #tpu.memory_space<vmem>>, vector<16xf32>,
      tpu.vector_store %arg11[%swap3A_51, %swap3A_52], %broadcast_in_dim3A_3 {strides = array<i32>} : memref<16x128xf32, #tpu.memory_space<vmem>>, vector<16xf32>,
      %scan3A_54 = arith.constant 0 : i32
      scf.yield %scan3A_54 : i32
    }
    %scan3A_9 = arith.constant 16 : i32
    %scan3A_10 = arith.constant 0 : i32
    %scan3A_11 = arith.constant 0 : i32
    %scan3A_12 = arith.constant 40 : i32
    %scan3A_13 = arith.addi %scan3A_11, %scan3A_12 : i32
    %scan3A_14 = arith.constant 1 : i32
    %scan3A_15 = scf.for %scan3A_29 = %scan3A_11 to %scan3A_13 step %scan3A_14 iter_args(%scan3A_30 = %scan3A_10) -> (i32)  : i32 {
      %mul3A_31 = arith.constant 640 : i32
      %mul3A_32 = arith.muli %arg1, %mul3A_31 : i32
      %mul3A_33 = arith.constant 16 : i32
      %mul3A_34 = arith.muli %scan3A_29, %mul3A_33 : i32
      %add3A_35 = arith.addi %mul3A_32, %mul3A_34 : i32
      "tpu.region"() ({
        %run_scoped3A = tpu.sem_alloc : memref<!tpu.dma_semaphore, #tpu.memory_space<semaphore_mem>>
        %dma_start3A = arith.constant 0 : i32
        %dma_start3A_37 = tpu.memref_slice %arg12[%add3A_35, %dma_start3A] : memref<10240x128xf32, #tpu.memory_space<vmem_shared>> -> memref<16x128xf32, #tpu.memory_space<vmem_shared>>
        %dma_start3A_38 = arith.constant 0 : i32
        %dma_start3A_39 = tpu.memref_slice %arg12[%add3A_35, %dma_start3A_38] : memref<10240x128xf32, #tpu.memory_space<vmem_shared>> -> memref<16x128xf32, #tpu.memory_space<vmem_shared>>
        tpu.enqueue_dma source(%arg11 : memref<16x128xf32, #tpu.memory_space<vmem>>) target(%dma_start3A_39 : memref<16x128xf32, #tpu.memory_space<vmem_shared>>) target_semaphore(%run_scoped3A : memref<!tpu.dma_semaphore, #tpu.memory_space<semaphore_mem>>)
        %dma_wait3A = arith.constant 0 : i32
        %dma_wait3A_40 = tpu.memref_slice %arg12[%add3A_35, %dma_wait3A] : memref<10240x128xf32, #tpu.memory_space<vmem_shared>> -> memref<16x128xf32, #tpu.memory_space<vmem_shared>>
        %dma_wait3A_41 = arith.constant 0 : i32
        %dma_wait3A_42 = tpu.memref_slice %arg12[%add3A_35, %dma_wait3A_41] : memref<10240x128xf32, #tpu.memory_space<vmem_shared>> -> memref<16x128xf32, #tpu.memory_space<vmem_shared>>
        tpu.wait_dma2 semaphore(%run_scoped3A : memref<!tpu.dma_semaphore, #tpu.memory_space<semaphore_mem>>) src(%arg11 : memref<16x128xf32, #tpu.memory_space<vmem>>) dst(%dma_wait3A_42 : memref<16x128xf32, #tpu.memory_space<vmem_shared>>)
        tpu.yield
      }) : () -> ()
      %scan3A_36 = arith.constant 0 : i32
      scf.yield %scan3A_36 : i32
    }
    %scan3A_16 = arith.constant 40 : i32
    %barrier3A = arith.constant 0 : index
    tpu.barrier barrier_id(%barrier3A)
    %scan3A_17 = arith.constant 0 : i32
    %scan3A_18 = arith.constant 0 : i32
    %scan3A_19 = arith.constant 40 : i32
    %scan3A_20 = arith.addi %scan3A_18, %scan3A_19 : i32
    %scan3A_21 = arith.constant 1 : i32
    %scan3A_22 = scf.for %scan3A_29 = %scan3A_18 to %scan3A_20 step %scan3A_21 iter_args(%scan3A_30 = %scan3A_17) -> (i32)  : i32 {
      %mul3A_31 = arith.constant 128 : i32
      %mul3A_32 = arith.muli %scan3A_29, %mul3A_31 : i32
      %add3A_33 = arith.addi %mul3A_2, %mul3A_32 : i32
      "tpu.region"() ({
        %run_scoped3A = tpu.sem_alloc : memref<!tpu.dma_semaphore, #tpu.memory_space<semaphore_mem>>
        %dma_start3A_41 = tpu.memref_slice %arg4[%add3A_33] : memref<163840xi32, #tpu.memory_space<hbm>> -> memref<128xi32, #tpu.memory_space<hbm>>
        %dma_start3A_42 = tpu.memref_slice %arg4[%add3A_33] : memref<163840xi32, #tpu.memory_space<hbm>> -> memref<128xi32, #tpu.memory_space<hbm>>
        tpu.enqueue_dma source(%dma_start3A_42 : memref<128xi32, #tpu.memory_space<hbm>>) target(%arg7 : memref<128xi32, #tpu.memory_space<vmem>>) target_semaphore(%run_scoped3A : memref<!tpu.dma_semaphore, #tpu.memory_space<semaphore_mem>>)
        %dma_wait3A_43 = tpu.memref_slice %arg4[%add3A_33] : memref<163840xi32, #tpu.memory_space<hbm>> -> memref<128xi32, #tpu.memory_space<hbm>>
        %dma_wait3A_44 = tpu.memref_slice %arg4[%add3A_33] : memref<163840xi32, #tpu.memory_space<hbm>> -> memref<128xi32, #tpu.memory_space<hbm>>
        tpu.wait_dma2 semaphore(%run_scoped3A : memref<!tpu.dma_semaphore, #tpu.memory_space<semaphore_mem>>) src(%dma_wait3A_44 : memref<128xi32, #tpu.memory_space<hbm>>) dst(%arg7 : memref<128xi32, #tpu.memory_space<vmem>>)
        tpu.yield
      }) : () -> ()
      "tpu.region"() ({
        %run_scoped3A = tpu.sem_alloc : memref<!tpu.dma_semaphore, #tpu.memory_space<semaphore_mem>>
        %dma_start3A_41 = tpu.memref_slice %arg5[%add3A_33] : memref<163840xi32, #tpu.memory_space<hbm>> -> memref<128xi32, #tpu.memory_space<hbm>>
        %dma_start3A_42 = tpu.memref_slice %arg5[%add3A_33] : memref<163840xi32, #tpu.memory_space<hbm>> -> memref<128xi32, #tpu.memory_space<hbm>>
        tpu.enqueue_dma source(%dma_start3A_42 : memref<128xi32, #tpu.memory_space<hbm>>) target(%arg8 : memref<128xi32, #tpu.memory_space<vmem>>) target_semaphore(%run_scoped3A : memref<!tpu.dma_semaphore, #tpu.memory_space<semaphore_mem>>)
        %dma_wait3A_43 = tpu.memref_slice %arg5[%add3A_33] : memref<163840xi32, #tpu.memory_space<hbm>> -> memref<128xi32, #tpu.memory_space<hbm>>
        %dma_wait3A_44 = tpu.memref_slice %arg5[%add3A_33] : memref<163840xi32, #tpu.memory_space<hbm>> -> memref<128xi32, #tpu.memory_space<hbm>>
        tpu.wait_dma2 semaphore(%run_scoped3A : memref<!tpu.dma_semaphore, #tpu.memory_space<semaphore_mem>>) src(%dma_wait3A_44 : memref<128xi32, #tpu.memory_space<hbm>>) dst(%arg8 : memref<128xi32, #tpu.memory_space<vmem>>)
        tpu.yield
      }) : () -> ()
      %dma_start3A = arith.constant 0 : i32
      %dma_start3A_34 = arith.constant 0 : i32
      %dma_start3A_35 = tpu.memref_slice %arg2[%dma_start3A, %dma_start3A_34] : memref<10000x128xf32, #tpu.memory_space<hbm>> -> memref<10000x128xf32, #tpu.memory_space<hbm>>
      tpu.enqueue_indirect_dma source(%dma_start3A_35 : memref<10000x128xf32, #tpu.memory_space<hbm>>) target(%arg9 : memref<128x128xf32, #tpu.memory_space<vmem>>) offsets(%arg7 : memref<128xi32, #tpu.memory_space<vmem>>) semaphore(%arg13 : memref<!tpu.dma_semaphore, #tpu.memory_space<semaphore_mem>>)
      "tpu.region"() ({
        %run_scoped3A = tpu.sem_alloc : memref<!tpu.dma_semaphore, #tpu.memory_space<semaphore_mem>>
        %dma_start3A_41 = arith.constant 0 : i32
        %dma_start3A_42 = tpu.memref_slice %arg3[%add3A_33, %dma_start3A_41] : memref<163840x128xf32, #tpu.memory_space<hbm>> -> memref<128x128xf32, #tpu.memory_space<hbm>>
        %dma_start3A_43 = arith.constant 0 : i32
        %dma_start3A_44 = tpu.memref_slice %arg3[%add3A_33, %dma_start3A_43] : memref<163840x128xf32, #tpu.memory_space<hbm>> -> memref<128x128xf32, #tpu.memory_space<hbm>>
        tpu.enqueue_dma source(%dma_start3A_44 : memref<128x128xf32, #tpu.memory_space<hbm>>) target(%arg10 : memref<128x128xf32, #tpu.memory_space<vmem>>) target_semaphore(%run_scoped3A : memref<!tpu.dma_semaphore, #tpu.memory_space<semaphore_mem>>)
        %dma_wait3A_45 = arith.constant 0 : i32
        %dma_wait3A_46 = tpu.memref_slice %arg3[%add3A_33, %dma_wait3A_45] : memref<163840x128xf32, #tpu.memory_space<hbm>> -> memref<128x128xf32, #tpu.memory_space<hbm>>
        %dma_wait3A_47 = arith.constant 0 : i32
        %dma_wait3A_48 = tpu.memref_slice %arg3[%add3A_33, %dma_wait3A_47] : memref<163840x128xf32, #tpu.memory_space<hbm>> -> memref<128x128xf32, #tpu.memory_space<hbm>>
        tpu.wait_dma2 semaphore(%run_scoped3A : memref<!tpu.dma_semaphore, #tpu.memory_space<semaphore_mem>>) src(%dma_wait3A_48 : memref<128x128xf32, #tpu.memory_space<hbm>>) dst(%arg10 : memref<128x128xf32, #tpu.memory_space<vmem>>)
        tpu.yield
      }) : () -> ()
      %dma_wait3A = arith.constant 0 : i32
      %dma_wait3A_36 = arith.constant 0 : i32
      %dma_wait3A_37 = tpu.memref_slice %arg2[%dma_wait3A, %dma_wait3A_36] : memref<10000x128xf32, #tpu.memory_space<hbm>> -> memref<10000x128xf32, #tpu.memory_space<hbm>>
      tpu.wait_indirect_dma semaphore(%arg13 : memref<!tpu.dma_semaphore, #tpu.memory_space<semaphore_mem>>) src(%dma_wait3A_37 : memref<10000x128xf32, #tpu.memory_space<hbm>>) dst(%arg9 : memref<128x128xf32, #tpu.memory_space<vmem>>)
      %parallel_loop3A = arith.constant 0 : i32
      %parallel_loop3A_38 = arith.constant 128 : i32
      %parallel_loop3A_39 = arith.constant 1 : i32
      scf.for %parallel_loop3A_41 = %parallel_loop3A to %parallel_loop3A_38 step %parallel_loop3A_39  : i32 {
        %parallel_loop3A_42 = arith.index_cast %parallel_loop3A_41 : i32 to index
        %parallel_loop3A_43 = arith.constant 0 : index
        %parallel_loop3A_44 = tpu.vector_load %arg9[%parallel_loop3A_42, %parallel_loop3A_43] {strides = array<i32>} : memref<128x128xf32, #tpu.memory_space<vmem>>, vector<16xf32>,
        %parallel_loop3A_45 = arith.index_cast %parallel_loop3A_41 : i32 to index
        %parallel_loop3A_46 = arith.constant 0 : index
        %parallel_loop3A_47 = tpu.vector_load %arg10[%parallel_loop3A_45, %parallel_loop3A_46] {strides = array<i32>} : memref<128x128xf32, #tpu.memory_space<vmem>>, vector<16xf32>,
        %parallel_loop3A_48 = arith.mulf %parallel_loop3A_44, %parallel_loop3A_47 : vector<16xf32>
        %parallel_loop3A_49 = arith.index_cast %parallel_loop3A_41 : i32 to index
        %parallel_loop3A_50 = arith.constant 0 : index
        %parallel_loop3A_51 = tpu.vector_load %arg9[%parallel_loop3A_49, %parallel_loop3A_50] {strides = array<i32>} : memref<128x128xf32, #tpu.memory_space<vmem>>, vector<16xf32>,
        tpu.vector_store %arg9[%parallel_loop3A_49, %parallel_loop3A_50], %parallel_loop3A_48 {strides = array<i32>} : memref<128x128xf32, #tpu.memory_space<vmem>>, vector<16xf32>,
        %parallel_loop3A_52 = arith.index_cast %parallel_loop3A_41 : i32 to index
        %parallel_loop3A_53 = arith.constant 16 : index
        %parallel_loop3A_54 = tpu.vector_load %arg9[%parallel_loop3A_52, %parallel_loop3A_53] {strides = array<i32>} : memref<128x128xf32, #tpu.memory_space<vmem>>, vector<16xf32>,
        %parallel_loop3A_55 = arith.index_cast %parallel_loop3A_41 : i32 to index
        %parallel_loop3A_56 = arith.constant 16 : index
        %parallel_loop3A_57 = tpu.vector_load %arg10[%parallel_loop3A_55, %parallel_loop3A_56] {strides = array<i32>} : memref<128x128xf32, #tpu.memory_space<vmem>>, vector<16xf32>,
        %parallel_loop3A_58 = arith.mulf %parallel_loop3A_54, %parallel_loop3A_57 : vector<16xf32>
        %parallel_loop3A_59 = arith.index_cast %parallel_loop3A_41 : i32 to index
        %parallel_loop3A_60 = arith.constant 16 : index
        %parallel_loop3A_61 = tpu.vector_load %arg9[%parallel_loop3A_59, %parallel_loop3A_60] {strides = array<i32>} : memref<128x128xf32, #tpu.memory_space<vmem>>, vector<16xf32>,
        tpu.vector_store %arg9[%parallel_loop3A_59, %parallel_loop3A_60], %parallel_loop3A_58 {strides = array<i32>} : memref<128x128xf32, #tpu.memory_space<vmem>>, vector<16xf32>,
        %parallel_loop3A_62 = arith.index_cast %parallel_loop3A_41 : i32 to index
        %parallel_loop3A_63 = arith.constant 32 : index
        %parallel_loop3A_64 = tpu.vector_load %arg9[%parallel_loop3A_62, %parallel_loop3A_63] {strides = array<i32>} : memref<128x128xf32, #tpu.memory_space<vmem>>, vector<16xf32>,
        %parallel_loop3A_65 = arith.index_cast %parallel_loop3A_41 : i32 to index
        %parallel_loop3A_66 = arith.constant 32 : index
        %parallel_loop3A_67 = tpu.vector_load %arg10[%parallel_loop3A_65, %parallel_loop3A_66] {strides = array<i32>} : memref<128x128xf32, #tpu.memory_space<vmem>>, vector<16xf32>,
        %parallel_loop3A_68 = arith.mulf %parallel_loop3A_64, %parallel_loop3A_67 : vector<16xf32>
        %parallel_loop3A_69 = arith.index_cast %parallel_loop3A_41 : i32 to index
        %parallel_loop3A_70 = arith.constant 32 : index
        %parallel_loop3A_71 = tpu.vector_load %arg9[%parallel_loop3A_69, %parallel_loop3A_70] {strides = array<i32>} : memref<128x128xf32, #tpu.memory_space<vmem>>, vector<16xf32>,
        tpu.vector_store %arg9[%parallel_loop3A_69, %parallel_loop3A_70], %parallel_loop3A_68 {strides = array<i32>} : memref<128x128xf32, #tpu.memory_space<vmem>>, vector<16xf32>,
        %parallel_loop3A_72 = arith.index_cast %parallel_loop3A_41 : i32 to index
        %parallel_loop3A_73 = arith.constant 48 : index
        %parallel_loop3A_74 = tpu.vector_load %arg9[%parallel_loop3A_72, %parallel_loop3A_73] {strides = array<i32>} : memref<128x128xf32, #tpu.memory_space<vmem>>, vector<16xf32>,
        %parallel_loop3A_75 = arith.index_cast %parallel_loop3A_41 : i32 to index
        %parallel_loop3A_76 = arith.constant 48 : index
        %parallel_loop3A_77 = tpu.vector_load %arg10[%parallel_loop3A_75, %parallel_loop3A_76] {strides = array<i32>} : memref<128x128xf32, #tpu.memory_space<vmem>>, vector<16xf32>,
        %parallel_loop3A_78 = arith.mulf %parallel_loop3A_74, %parallel_loop3A_77 : vector<16xf32>
        %parallel_loop3A_79 = arith.index_cast %parallel_loop3A_41 : i32 to index
        %parallel_loop3A_80 = arith.constant 48 : index
        %parallel_loop3A_81 = tpu.vector_load %arg9[%parallel_loop3A_79, %parallel_loop3A_80] {strides = array<i32>} : memref<128x128xf32, #tpu.memory_space<vmem>>, vector<16xf32>,
        tpu.vector_store %arg9[%parallel_loop3A_79, %parallel_loop3A_80], %parallel_loop3A_78 {strides = array<i32>} : memref<128x128xf32, #tpu.memory_space<vmem>>, vector<16xf32>,
        %parallel_loop3A_82 = arith.index_cast %parallel_loop3A_41 : i32 to index
        %parallel_loop3A_83 = arith.constant 64 : index
        %parallel_loop3A_84 = tpu.vector_load %arg9[%parallel_loop3A_82, %parallel_loop3A_83] {strides = array<i32>} : memref<128x128xf32, #tpu.memory_space<vmem>>, vector<16xf32>,
        %parallel_loop3A_85 = arith.index_cast %parallel_loop3A_41 : i32 to index
        %parallel_loop3A_86 = arith.constant 64 : index
        %parallel_loop3A_87 = tpu.vector_load %arg10[%parallel_loop3A_85, %parallel_loop3A_86] {strides = array<i32>} : memref<128x128xf32, #tpu.memory_space<vmem>>, vector<16xf32>,
        %parallel_loop3A_88 = arith.mulf %parallel_loop3A_84, %parallel_loop3A_87 : vector<16xf32>
        %parallel_loop3A_89 = arith.index_cast %parallel_loop3A_41 : i32 to index
        %parallel_loop3A_90 = arith.constant 64 : index
        %parallel_loop3A_91 = tpu.vector_load %arg9[%parallel_loop3A_89, %parallel_loop3A_90] {strides = array<i32>} : memref<128x128xf32, #tpu.memory_space<vmem>>, vector<16xf32>,
        tpu.vector_store %arg9[%parallel_loop3A_89, %parallel_loop3A_90], %parallel_loop3A_88 {strides = array<i32>} : memref<128x128xf32, #tpu.memory_space<vmem>>, vector<16xf32>,
        %parallel_loop3A_92 = arith.index_cast %parallel_loop3A_41 : i32 to index
        %parallel_loop3A_93 = arith.constant 80 : index
        %parallel_loop3A_94 = tpu.vector_load %arg9[%parallel_loop3A_92, %parallel_loop3A_93] {strides = array<i32>} : memref<128x128xf32, #tpu.memory_space<vmem>>, vector<16xf32>,
        %parallel_loop3A_95 = arith.index_cast %parallel_loop3A_41 : i32 to index
        %parallel_loop3A_96 = arith.constant 80 : index
        %parallel_loop3A_97 = tpu.vector_load %arg10[%parallel_loop3A_95, %parallel_loop3A_96] {strides = array<i32>} : memref<128x128xf32, #tpu.memory_space<vmem>>, vector<16xf32>,
        %parallel_loop3A_98 = arith.mulf %parallel_loop3A_94, %parallel_loop3A_97 : vector<16xf32>
        %parallel_loop3A_99 = arith.index_cast %parallel_loop3A_41 : i32 to index
        %parallel_loop3A_100 = arith.constant 80 : index
        %parallel_loop3A_101 = tpu.vector_load %arg9[%parallel_loop3A_99, %parallel_loop3A_100] {strides = array<i32>} : memref<128x128xf32, #tpu.memory_space<vmem>>, vector<16xf32>,
        tpu.vector_store %arg9[%parallel_loop3A_99, %parallel_loop3A_100], %parallel_loop3A_98 {strides = array<i32>} : memref<128x128xf32, #tpu.memory_space<vmem>>, vector<16xf32>,
        %parallel_loop3A_102 = arith.index_cast %parallel_loop3A_41 : i32 to index
        %parallel_loop3A_103 = arith.constant 96 : index
        %parallel_loop3A_104 = tpu.vector_load %arg9[%parallel_loop3A_102, %parallel_loop3A_103] {strides = array<i32>} : memref<128x128xf32, #tpu.memory_space<vmem>>, vector<16xf32>,
        %parallel_loop3A_105 = arith.index_cast %parallel_loop3A_41 : i32 to index
        %parallel_loop3A_106 = arith.constant 96 : index
        %parallel_loop3A_107 = tpu.vector_load %arg10[%parallel_loop3A_105, %parallel_loop3A_106] {strides = array<i32>} : memref<128x128xf32, #tpu.memory_space<vmem>>, vector<16xf32>,
        %parallel_loop3A_108 = arith.mulf %parallel_loop3A_104, %parallel_loop3A_107 : vector<16xf32>
        %parallel_loop3A_109 = arith.index_cast %parallel_loop3A_41 : i32 to index
        %parallel_loop3A_110 = arith.constant 96 : index
        %parallel_loop3A_111 = tpu.vector_load %arg9[%parallel_loop3A_109, %parallel_loop3A_110] {strides = array<i32>} : memref<128x128xf32, #tpu.memory_space<vmem>>, vector<16xf32>,
        tpu.vector_store %arg9[%parallel_loop3A_109, %parallel_loop3A_110], %parallel_loop3A_108 {strides = array<i32>} : memref<128x128xf32, #tpu.memory_space<vmem>>, vector<16xf32>,
        %parallel_loop3A_112 = arith.index_cast %parallel_loop3A_41 : i32 to index
        %parallel_loop3A_113 = arith.constant 112 : index
        %parallel_loop3A_114 = tpu.vector_load %arg9[%parallel_loop3A_112, %parallel_loop3A_113] {strides = array<i32>} : memref<128x128xf32, #tpu.memory_space<vmem>>, vector<16xf32>,
        %parallel_loop3A_115 = arith.index_cast %parallel_loop3A_41 : i32 to index
        %parallel_loop3A_116 = arith.constant 112 : index
        %parallel_loop3A_117 = tpu.vector_load %arg10[%parallel_loop3A_115, %parallel_loop3A_116] {strides = array<i32>} : memref<128x128xf32, #tpu.memory_space<vmem>>, vector<16xf32>,
        %parallel_loop3A_118 = arith.mulf %parallel_loop3A_114, %parallel_loop3A_117 : vector<16xf32>
        %parallel_loop3A_119 = arith.index_cast %parallel_loop3A_41 : i32 to index
        %parallel_loop3A_120 = arith.constant 112 : index
        %parallel_loop3A_121 = tpu.vector_load %arg9[%parallel_loop3A_119, %parallel_loop3A_120] {strides = array<i32>} : memref<128x128xf32, #tpu.memory_space<vmem>>, vector<16xf32>,
        tpu.vector_store %arg9[%parallel_loop3A_119, %parallel_loop3A_120], %parallel_loop3A_118 {strides = array<i32>} : memref<128x128xf32, #tpu.memory_space<vmem>>, vector<16xf32>,
      } {sc.loop_unroll_factor = 4 : i64, sc.parallel_access}
      "tpu.region"() ({
        %run_scoped3A = tpu.sem_alloc : memref<!tpu.dma_semaphore, #tpu.memory_space<semaphore_mem>>
        %dma_start3A_41 = arith.constant 0 : i32
        %dma_start3A_42 = arith.constant 0 : i32
        %dma_start3A_43 = tpu.memref_slice %arg12[%dma_start3A_41, %dma_start3A_42] : memref<10240x128xf32, #tpu.memory_space<vmem_shared>> -> memref<10240x128xf32, #tpu.memory_space<vmem_shared>>
        tpu.enqueue_indirect_dma source(%arg9 : memref<128x128xf32, #tpu.memory_space<vmem>>) target(%dma_start3A_43 : memref<10240x128xf32, #tpu.memory_space<vmem_shared>>) offsets(%arg8 : memref<128xi32, #tpu.memory_space<vmem>>) semaphore(%run_scoped3A : memref<!tpu.dma_semaphore, #tpu.memory_space<semaphore_mem>>) {add = true}
        %dma_wait3A_44 = arith.constant 0 : i32
        %dma_wait3A_45 = arith.constant 0 : i32
        %dma_wait3A_46 = tpu.memref_slice %arg12[%dma_wait3A_44, %dma_wait3A_45] : memref<10240x128xf32, #tpu.memory_space<vmem_shared>> -> memref<10240x128xf32, #tpu.memory_space<vmem_shared>>
        tpu.wait_indirect_dma semaphore(%run_scoped3A : memref<!tpu.dma_semaphore, #tpu.memory_space<semaphore_mem>>) src(%arg9 : memref<128x128xf32, #tpu.memory_space<vmem>>) dst(%dma_wait3A_46 : memref<10240x128xf32, #tpu.memory_space<vmem_shared>>)
        tpu.yield
      }) : () -> ()
      %scan3A_40 = arith.constant 0 : i32
      scf.yield %scan3A_40 : i32
    }
    %scan3A_23 = arith.constant 40 : i32
    %barrier3A_24 = arith.constant 0 : index
    tpu.barrier barrier_id(%barrier3A_24)
    %mul3A_25 = arith.constant 640 : i32
    %mul3A_26 = arith.muli %arg1, %mul3A_25 : i32
    %mul3A_27 = arith.constant 640 : i32
    %mul3A_28 = arith.muli %arg1, %mul3A_27 : i32
    "tpu.region"() ({
      %run_scoped3A = tpu.sem_alloc : memref<!tpu.dma_semaphore, #tpu.memory_space<semaphore_mem>>
      %dma_start3A = arith.constant 0 : i32
      %dma_start3A_29 = tpu.memref_slice %arg6[%arg0, %mul3A_28, %dma_start3A] : memref<2x10240x128xf32, #tpu.memory_space<hbm>> -> memref<1x640x128xf32, #tpu.memory_space<hbm>>
      %dma_start3A_30 = tpu.memref_squeeze %dma_start3A_29 : memref<1x640x128xf32, #tpu.memory_space<hbm>> -> memref<640x128xf32, #tpu.memory_space<hbm>>
      %dma_start3A_31 = arith.constant 0 : i32
      %dma_start3A_32 = tpu.memref_slice %arg12[%mul3A_26, %dma_start3A_31] : memref<10240x128xf32, #tpu.memory_space<vmem_shared>> -> memref<640x128xf32, #tpu.memory_space<vmem_shared>>
      tpu.enqueue_dma source(%dma_start3A_32 : memref<640x128xf32, #tpu.memory_space<vmem_shared>>) target(%dma_start3A_30 : memref<640x128xf32, #tpu.memory_space<hbm>>) target_semaphore(%run_scoped3A : memref<!tpu.dma_semaphore, #tpu.memory_space<semaphore_mem>>)
      %dma_wait3A = arith.constant 0 : i32
      %dma_wait3A_33 = tpu.memref_slice %arg6[%arg0, %mul3A_28, %dma_wait3A] : memref<2x10240x128xf32, #tpu.memory_space<hbm>> -> memref<1x640x128xf32, #tpu.memory_space<hbm>>
      %dma_wait3A_34 = tpu.memref_squeeze %dma_wait3A_33 : memref<1x640x128xf32, #tpu.memory_space<hbm>> -> memref<640x128xf32, #tpu.memory_space<hbm>>
      %dma_wait3A_35 = arith.constant 0 : i32
      %dma_wait3A_36 = tpu.memref_slice %arg12[%mul3A_26, %dma_wait3A_35] : memref<10240x128xf32, #tpu.memory_space<vmem_shared>> -> memref<640x128xf32, #tpu.memory_space<vmem_shared>>
      tpu.wait_dma2 semaphore(%run_scoped3A : memref<!tpu.dma_semaphore, #tpu.memory_space<semaphore_mem>>) src(%dma_wait3A_36 : memref<640x128xf32, #tpu.memory_space<vmem_shared>>) dst(%dma_wait3A_34 : memref<640x128xf32, #tpu.memory_space<hbm>>)
      tpu.yield
    }) : () -> ()
    return
  }
}

#map = affine_map<(d0, d1) -> (0, 0)>
#map1 = affine_map<(d0, d1) -> (0)>
#map2 = affine_map<(d0, d1) -> (0, 0, 0)>
module attributes {stable_mosaic.version = 14 : i64} {
  func.func @_sc_msg_agg(%arg0: i32, %arg1: i32, %arg2: memref<10000x128xf32, #tpu.memory_space<hbm>>, %arg3: memref<163840x128xf32, #tpu.memory_space<hbm>>, %arg4: memref<163840xi32, #tpu.memory_space<hbm>>, %arg5: memref<163840xi32, #tpu.memory_space<hbm>>, %arg6: memref<2x10240x128xf32, #tpu.memory_space<hbm>>, %arg7: memref<128xi32, #tpu.memory_space<vmem>>, %arg8: memref<128xi32, #tpu.memory_space<vmem>>, %arg9: memref<128x128xf32, #tpu.memory_space<vmem>>, %arg10: memref<128x128xf32, #tpu.memory_space<vmem>>, %arg11: memref<16x128xf32, #tpu.memory_space<vmem>>, %arg12: memref<10240x128xf32, #tpu.memory_space<vmem_shared>>, %arg13: memref<!tpu.dma_semaphore, #tpu.memory_space<semaphore_mem>>) attributes {dimension_semantics = [#tpu.dimension_semantics<core_parallel>, #tpu.dimension_semantics<subcore_parallel>], iteration_bounds = array<i64: 2, 16>, scalar_prefetch = 0 : i64, scratch_operands = 7 : i64, tpu.core_type = #tpu.core_type<sc_vector_subcore>, window_params = [{transform_indices = #map}, {transform_indices = #map}, {transform_indices = #map1}, {transform_indices = #map1}, {transform_indices = #map2}]} {
    %mul3A = arith.constant 2 : i32
    %mul3A_0 = arith.muli %arg1, %mul3A : i32
    %add3A = arith.addi %mul3A_0, %arg0 : i32
    %mul3A_1 = arith.constant 5120 : i32
    %mul3A_2 = arith.muli %add3A, %mul3A_1 : i32
    %broadcast_in_dim3A = arith.constant 0.000000e+00 : f32
    %broadcast_in_dim3A_3 = vector.broadcast %broadcast_in_dim3A : f32 to vector<16xf32>
    %scan3A = arith.constant 0 : i32
    %scan3A_4 = arith.constant 0 : i32
    %scan3A_5 = arith.constant 16 : i32
    %scan3A_6 = arith.addi %scan3A_4, %scan3A_5 : i32
    %scan3A_7 = arith.constant 1 : i32
    %scan3A_8 = scf.for %scan3A_29 = %scan3A_4 to %scan3A_6 step %scan3A_7 iter_args(%scan3A_30 = %scan3A) -> (i32)  : i32 {
      %swap3A = arith.index_cast %scan3A_29 : i32 to index
      %swap3A_31 = arith.constant 0 : index
      %swap3A_32 = tpu.vector_load %arg11[%swap3A, %swap3A_31] {strides = array<i32>} : memref<16x128xf32, #tpu.memory_space<vmem>>, vector<16xf32>,
      tpu.vector_store %arg11[%swap3A, %swap3A_31], %broadcast_in_dim3A_3 {strides = array<i32>} : memref<16x128xf32, #tpu.memory_space<vmem>>, vector<16xf32>,
      %swap3A_33 = arith.index_cast %scan3A_29 : i32 to index
      %swap3A_34 = arith.constant 16 : index
      %swap3A_35 = tpu.vector_load %arg11[%swap3A_33, %swap3A_34] {strides = array<i32>} : memref<16x128xf32, #tpu.memory_space<vmem>>, vector<16xf32>,
      tpu.vector_store %arg11[%swap3A_33, %swap3A_34], %broadcast_in_dim3A_3 {strides = array<i32>} : memref<16x128xf32, #tpu.memory_space<vmem>>, vector<16xf32>,
      %swap3A_36 = arith.index_cast %scan3A_29 : i32 to index
      %swap3A_37 = arith.constant 32 : index
      %swap3A_38 = tpu.vector_load %arg11[%swap3A_36, %swap3A_37] {strides = array<i32>} : memref<16x128xf32, #tpu.memory_space<vmem>>, vector<16xf32>,
      tpu.vector_store %arg11[%swap3A_36, %swap3A_37], %broadcast_in_dim3A_3 {strides = array<i32>} : memref<16x128xf32, #tpu.memory_space<vmem>>, vector<16xf32>,
      %swap3A_39 = arith.index_cast %scan3A_29 : i32 to index
      %swap3A_40 = arith.constant 48 : index
      %swap3A_41 = tpu.vector_load %arg11[%swap3A_39, %swap3A_40] {strides = array<i32>} : memref<16x128xf32, #tpu.memory_space<vmem>>, vector<16xf32>,
      tpu.vector_store %arg11[%swap3A_39, %swap3A_40], %broadcast_in_dim3A_3 {strides = array<i32>} : memref<16x128xf32, #tpu.memory_space<vmem>>, vector<16xf32>,
      %swap3A_42 = arith.index_cast %scan3A_29 : i32 to index
      %swap3A_43 = arith.constant 64 : index
      %swap3A_44 = tpu.vector_load %arg11[%swap3A_42, %swap3A_43] {strides = array<i32>} : memref<16x128xf32, #tpu.memory_space<vmem>>, vector<16xf32>,
      tpu.vector_store %arg11[%swap3A_42, %swap3A_43], %broadcast_in_dim3A_3 {strides = array<i32>} : memref<16x128xf32, #tpu.memory_space<vmem>>, vector<16xf32>,
      %swap3A_45 = arith.index_cast %scan3A_29 : i32 to index
      %swap3A_46 = arith.constant 80 : index
      %swap3A_47 = tpu.vector_load %arg11[%swap3A_45, %swap3A_46] {strides = array<i32>} : memref<16x128xf32, #tpu.memory_space<vmem>>, vector<16xf32>,
      tpu.vector_store %arg11[%swap3A_45, %swap3A_46], %broadcast_in_dim3A_3 {strides = array<i32>} : memref<16x128xf32, #tpu.memory_space<vmem>>, vector<16xf32>,
      %swap3A_48 = arith.index_cast %scan3A_29 : i32 to index
      %swap3A_49 = arith.constant 96 : index
      %swap3A_50 = tpu.vector_load %arg11[%swap3A_48, %swap3A_49] {strides = array<i32>} : memref<16x128xf32, #tpu.memory_space<vmem>>, vector<16xf32>,
      tpu.vector_store %arg11[%swap3A_48, %swap3A_49], %broadcast_in_dim3A_3 {strides = array<i32>} : memref<16x128xf32, #tpu.memory_space<vmem>>, vector<16xf32>,
      %swap3A_51 = arith.index_cast %scan3A_29 : i32 to index
      %swap3A_52 = arith.constant 112 : index
      %swap3A_53 = tpu.vector_load %arg11[%swap3A_51, %swap3A_52] {strides = array<i32>} : memref<16x128xf32, #tpu.memory_space<vmem>>, vector<16xf32>,
      tpu.vector_store %arg11[%swap3A_51, %swap3A_52], %broadcast_in_dim3A_3 {strides = array<i32>} : memref<16x128xf32, #tpu.memory_space<vmem>>, vector<16xf32>,
      %scan3A_54 = arith.constant 0 : i32
      scf.yield %scan3A_54 : i32
    }
    %scan3A_9 = arith.constant 16 : i32
    %scan3A_10 = arith.constant 0 : i32
    %scan3A_11 = arith.constant 0 : i32
    %scan3A_12 = arith.constant 40 : i32
    %scan3A_13 = arith.addi %scan3A_11, %scan3A_12 : i32
    %scan3A_14 = arith.constant 1 : i32
    %scan3A_15 = scf.for %scan3A_29 = %scan3A_11 to %scan3A_13 step %scan3A_14 iter_args(%scan3A_30 = %scan3A_10) -> (i32)  : i32 {
      %mul3A_31 = arith.constant 640 : i32
      %mul3A_32 = arith.muli %arg1, %mul3A_31 : i32
      %mul3A_33 = arith.constant 16 : i32
      %mul3A_34 = arith.muli %scan3A_29, %mul3A_33 : i32
      %add3A_35 = arith.addi %mul3A_32, %mul3A_34 : i32
      "tpu.region"() ({
        %run_scoped3A = tpu.sem_alloc : memref<!tpu.dma_semaphore, #tpu.memory_space<semaphore_mem>>
        %dma_start3A = arith.constant 0 : i32
        %dma_start3A_37 = tpu.memref_slice %arg12[%add3A_35, %dma_start3A] : memref<10240x128xf32, #tpu.memory_space<vmem_shared>> -> memref<16x128xf32, #tpu.memory_space<vmem_shared>>
        %dma_start3A_38 = arith.constant 0 : i32
        %dma_start3A_39 = tpu.memref_slice %arg12[%add3A_35, %dma_start3A_38] : memref<10240x128xf32, #tpu.memory_space<vmem_shared>> -> memref<16x128xf32, #tpu.memory_space<vmem_shared>>
        tpu.enqueue_dma source(%arg11 : memref<16x128xf32, #tpu.memory_space<vmem>>) target(%dma_start3A_39 : memref<16x128xf32, #tpu.memory_space<vmem_shared>>) target_semaphore(%run_scoped3A : memref<!tpu.dma_semaphore, #tpu.memory_space<semaphore_mem>>)
        %dma_wait3A = arith.constant 0 : i32
        %dma_wait3A_40 = tpu.memref_slice %arg12[%add3A_35, %dma_wait3A] : memref<10240x128xf32, #tpu.memory_space<vmem_shared>> -> memref<16x128xf32, #tpu.memory_space<vmem_shared>>
        %dma_wait3A_41 = arith.constant 0 : i32
        %dma_wait3A_42 = tpu.memref_slice %arg12[%add3A_35, %dma_wait3A_41] : memref<10240x128xf32, #tpu.memory_space<vmem_shared>> -> memref<16x128xf32, #tpu.memory_space<vmem_shared>>
        tpu.wait_dma2 semaphore(%run_scoped3A : memref<!tpu.dma_semaphore, #tpu.memory_space<semaphore_mem>>) src(%arg11 : memref<16x128xf32, #tpu.memory_space<vmem>>) dst(%dma_wait3A_42 : memref<16x128xf32, #tpu.memory_space<vmem_shared>>)
        tpu.yield
      }) : () -> ()
      %scan3A_36 = arith.constant 0 : i32
      scf.yield %scan3A_36 : i32
    }
    %scan3A_16 = arith.constant 40 : i32
    %barrier3A = arith.constant 0 : index
    tpu.barrier barrier_id(%barrier3A)
    %scan3A_17 = arith.constant 0 : i32
    %scan3A_18 = arith.constant 0 : i32
    %scan3A_19 = arith.constant 40 : i32
    %scan3A_20 = arith.addi %scan3A_18, %scan3A_19 : i32
    %scan3A_21 = arith.constant 1 : i32
    %scan3A_22 = scf.for %scan3A_29 = %scan3A_18 to %scan3A_20 step %scan3A_21 iter_args(%scan3A_30 = %scan3A_17) -> (i32)  : i32 {
      %mul3A_31 = arith.constant 128 : i32
      %mul3A_32 = arith.muli %scan3A_29, %mul3A_31 : i32
      %add3A_33 = arith.addi %mul3A_2, %mul3A_32 : i32
      "tpu.region"() ({
        %run_scoped3A = tpu.sem_alloc : memref<!tpu.dma_semaphore, #tpu.memory_space<semaphore_mem>>
        %dma_start3A_41 = tpu.memref_slice %arg4[%add3A_33] : memref<163840xi32, #tpu.memory_space<hbm>> -> memref<128xi32, #tpu.memory_space<hbm>>
        %dma_start3A_42 = tpu.memref_slice %arg4[%add3A_33] : memref<163840xi32, #tpu.memory_space<hbm>> -> memref<128xi32, #tpu.memory_space<hbm>>
        tpu.enqueue_dma source(%dma_start3A_42 : memref<128xi32, #tpu.memory_space<hbm>>) target(%arg7 : memref<128xi32, #tpu.memory_space<vmem>>) target_semaphore(%run_scoped3A : memref<!tpu.dma_semaphore, #tpu.memory_space<semaphore_mem>>)
        %dma_wait3A_43 = tpu.memref_slice %arg4[%add3A_33] : memref<163840xi32, #tpu.memory_space<hbm>> -> memref<128xi32, #tpu.memory_space<hbm>>
        %dma_wait3A_44 = tpu.memref_slice %arg4[%add3A_33] : memref<163840xi32, #tpu.memory_space<hbm>> -> memref<128xi32, #tpu.memory_space<hbm>>
        tpu.wait_dma2 semaphore(%run_scoped3A : memref<!tpu.dma_semaphore, #tpu.memory_space<semaphore_mem>>) src(%dma_wait3A_44 : memref<128xi32, #tpu.memory_space<hbm>>) dst(%arg7 : memref<128xi32, #tpu.memory_space<vmem>>)
        tpu.yield
      }) : () -> ()
      "tpu.region"() ({
        %run_scoped3A = tpu.sem_alloc : memref<!tpu.dma_semaphore, #tpu.memory_space<semaphore_mem>>
        %dma_start3A_41 = tpu.memref_slice %arg5[%add3A_33] : memref<163840xi32, #tpu.memory_space<hbm>> -> memref<128xi32, #tpu.memory_space<hbm>>
        %dma_start3A_42 = tpu.memref_slice %arg5[%add3A_33] : memref<163840xi32, #tpu.memory_space<hbm>> -> memref<128xi32, #tpu.memory_space<hbm>>
        tpu.enqueue_dma source(%dma_start3A_42 : memref<128xi32, #tpu.memory_space<hbm>>) target(%arg8 : memref<128xi32, #tpu.memory_space<vmem>>) target_semaphore(%run_scoped3A : memref<!tpu.dma_semaphore, #tpu.memory_space<semaphore_mem>>)
        %dma_wait3A_43 = tpu.memref_slice %arg5[%add3A_33] : memref<163840xi32, #tpu.memory_space<hbm>> -> memref<128xi32, #tpu.memory_space<hbm>>
        %dma_wait3A_44 = tpu.memref_slice %arg5[%add3A_33] : memref<163840xi32, #tpu.memory_space<hbm>> -> memref<128xi32, #tpu.memory_space<hbm>>
        tpu.wait_dma2 semaphore(%run_scoped3A : memref<!tpu.dma_semaphore, #tpu.memory_space<semaphore_mem>>) src(%dma_wait3A_44 : memref<128xi32, #tpu.memory_space<hbm>>) dst(%arg8 : memref<128xi32, #tpu.memory_space<vmem>>)
        tpu.yield
      }) : () -> ()
      %dma_start3A = arith.constant 0 : i32
      %dma_start3A_34 = arith.constant 0 : i32
      %dma_start3A_35 = tpu.memref_slice %arg2[%dma_start3A, %dma_start3A_34] : memref<10000x128xf32, #tpu.memory_space<hbm>> -> memref<10000x128xf32, #tpu.memory_space<hbm>>
      tpu.enqueue_indirect_dma source(%dma_start3A_35 : memref<10000x128xf32, #tpu.memory_space<hbm>>) target(%arg9 : memref<128x128xf32, #tpu.memory_space<vmem>>) offsets(%arg7 : memref<128xi32, #tpu.memory_space<vmem>>) semaphore(%arg13 : memref<!tpu.dma_semaphore, #tpu.memory_space<semaphore_mem>>)
      "tpu.region"() ({
        %run_scoped3A = tpu.sem_alloc : memref<!tpu.dma_semaphore, #tpu.memory_space<semaphore_mem>>
        %dma_start3A_41 = arith.constant 0 : i32
        %dma_start3A_42 = tpu.memref_slice %arg3[%add3A_33, %dma_start3A_41] : memref<163840x128xf32, #tpu.memory_space<hbm>> -> memref<128x128xf32, #tpu.memory_space<hbm>>
        %dma_start3A_43 = arith.constant 0 : i32
        %dma_start3A_44 = tpu.memref_slice %arg3[%add3A_33, %dma_start3A_43] : memref<163840x128xf32, #tpu.memory_space<hbm>> -> memref<128x128xf32, #tpu.memory_space<hbm>>
        tpu.enqueue_dma source(%dma_start3A_44 : memref<128x128xf32, #tpu.memory_space<hbm>>) target(%arg10 : memref<128x128xf32, #tpu.memory_space<vmem>>) target_semaphore(%run_scoped3A : memref<!tpu.dma_semaphore, #tpu.memory_space<semaphore_mem>>)
        %dma_wait3A_45 = arith.constant 0 : i32
        %dma_wait3A_46 = tpu.memref_slice %arg3[%add3A_33, %dma_wait3A_45] : memref<163840x128xf32, #tpu.memory_space<hbm>> -> memref<128x128xf32, #tpu.memory_space<hbm>>
        %dma_wait3A_47 = arith.constant 0 : i32
        %dma_wait3A_48 = tpu.memref_slice %arg3[%add3A_33, %dma_wait3A_47] : memref<163840x128xf32, #tpu.memory_space<hbm>> -> memref<128x128xf32, #tpu.memory_space<hbm>>
        tpu.wait_dma2 semaphore(%run_scoped3A : memref<!tpu.dma_semaphore, #tpu.memory_space<semaphore_mem>>) src(%dma_wait3A_48 : memref<128x128xf32, #tpu.memory_space<hbm>>) dst(%arg10 : memref<128x128xf32, #tpu.memory_space<vmem>>)
        tpu.yield
      }) : () -> ()
      %dma_wait3A = arith.constant 0 : i32
      %dma_wait3A_36 = arith.constant 0 : i32
      %dma_wait3A_37 = tpu.memref_slice %arg2[%dma_wait3A, %dma_wait3A_36] : memref<10000x128xf32, #tpu.memory_space<hbm>> -> memref<10000x128xf32, #tpu.memory_space<hbm>>
      tpu.wait_indirect_dma semaphore(%arg13 : memref<!tpu.dma_semaphore, #tpu.memory_space<semaphore_mem>>) src(%dma_wait3A_37 : memref<10000x128xf32, #tpu.memory_space<hbm>>) dst(%arg9 : memref<128x128xf32, #tpu.memory_space<vmem>>)
      %parallel_loop3A = arith.constant 0 : i32
      %parallel_loop3A_38 = arith.constant 128 : i32
      %parallel_loop3A_39 = arith.constant 1 : i32
      scf.for %parallel_loop3A_41 = %parallel_loop3A to %parallel_loop3A_38 step %parallel_loop3A_39  : i32 {
        %parallel_loop3A_42 = arith.index_cast %parallel_loop3A_41 : i32 to index
        %parallel_loop3A_43 = arith.constant 0 : index
        %parallel_loop3A_44 = tpu.vector_load %arg9[%parallel_loop3A_42, %parallel_loop3A_43] {strides = array<i32>} : memref<128x128xf32, #tpu.memory_space<vmem>>, vector<16xf32>,
        %parallel_loop3A_45 = arith.index_cast %parallel_loop3A_41 : i32 to index
        %parallel_loop3A_46 = arith.constant 0 : index
        %parallel_loop3A_47 = tpu.vector_load %arg10[%parallel_loop3A_45, %parallel_loop3A_46] {strides = array<i32>} : memref<128x128xf32, #tpu.memory_space<vmem>>, vector<16xf32>,
        %parallel_loop3A_48 = arith.mulf %parallel_loop3A_44, %parallel_loop3A_47 : vector<16xf32>
        %parallel_loop3A_49 = arith.index_cast %parallel_loop3A_41 : i32 to index
        %parallel_loop3A_50 = arith.constant 0 : index
        %parallel_loop3A_51 = tpu.vector_load %arg9[%parallel_loop3A_49, %parallel_loop3A_50] {strides = array<i32>} : memref<128x128xf32, #tpu.memory_space<vmem>>, vector<16xf32>,
        tpu.vector_store %arg9[%parallel_loop3A_49, %parallel_loop3A_50], %parallel_loop3A_48 {strides = array<i32>} : memref<128x128xf32, #tpu.memory_space<vmem>>, vector<16xf32>,
        %parallel_loop3A_52 = arith.index_cast %parallel_loop3A_41 : i32 to index
        %parallel_loop3A_53 = arith.constant 16 : index
        %parallel_loop3A_54 = tpu.vector_load %arg9[%parallel_loop3A_52, %parallel_loop3A_53] {strides = array<i32>} : memref<128x128xf32, #tpu.memory_space<vmem>>, vector<16xf32>,
        %parallel_loop3A_55 = arith.index_cast %parallel_loop3A_41 : i32 to index
        %parallel_loop3A_56 = arith.constant 16 : index
        %parallel_loop3A_57 = tpu.vector_load %arg10[%parallel_loop3A_55, %parallel_loop3A_56] {strides = array<i32>} : memref<128x128xf32, #tpu.memory_space<vmem>>, vector<16xf32>,
        %parallel_loop3A_58 = arith.mulf %parallel_loop3A_54, %parallel_loop3A_57 : vector<16xf32>
        %parallel_loop3A_59 = arith.index_cast %parallel_loop3A_41 : i32 to index
        %parallel_loop3A_60 = arith.constant 16 : index
        %parallel_loop3A_61 = tpu.vector_load %arg9[%parallel_loop3A_59, %parallel_loop3A_60] {strides = array<i32>} : memref<128x128xf32, #tpu.memory_space<vmem>>, vector<16xf32>,
        tpu.vector_store %arg9[%parallel_loop3A_59, %parallel_loop3A_60], %parallel_loop3A_58 {strides = array<i32>} : memref<128x128xf32, #tpu.memory_space<vmem>>, vector<16xf32>,
        %parallel_loop3A_62 = arith.index_cast %parallel_loop3A_41 : i32 to index
        %parallel_loop3A_63 = arith.constant 32 : index
        %parallel_loop3A_64 = tpu.vector_load %arg9[%parallel_loop3A_62, %parallel_loop3A_63] {strides = array<i32>} : memref<128x128xf32, #tpu.memory_space<vmem>>, vector<16xf32>,
        %parallel_loop3A_65 = arith.index_cast %parallel_loop3A_41 : i32 to index
        %parallel_loop3A_66 = arith.constant 32 : index
        %parallel_loop3A_67 = tpu.vector_load %arg10[%parallel_loop3A_65, %parallel_loop3A_66] {strides = array<i32>} : memref<128x128xf32, #tpu.memory_space<vmem>>, vector<16xf32>,
        %parallel_loop3A_68 = arith.mulf %parallel_loop3A_64, %parallel_loop3A_67 : vector<16xf32>
        %parallel_loop3A_69 = arith.index_cast %parallel_loop3A_41 : i32 to index
        %parallel_loop3A_70 = arith.constant 32 : index
        %parallel_loop3A_71 = tpu.vector_load %arg9[%parallel_loop3A_69, %parallel_loop3A_70] {strides = array<i32>} : memref<128x128xf32, #tpu.memory_space<vmem>>, vector<16xf32>,
        tpu.vector_store %arg9[%parallel_loop3A_69, %parallel_loop3A_70], %parallel_loop3A_68 {strides = array<i32>} : memref<128x128xf32, #tpu.memory_space<vmem>>, vector<16xf32>,
        %parallel_loop3A_72 = arith.index_cast %parallel_loop3A_41 : i32 to index
        %parallel_loop3A_73 = arith.constant 48 : index
        %parallel_loop3A_74 = tpu.vector_load %arg9[%parallel_loop3A_72, %parallel_loop3A_73] {strides = array<i32>} : memref<128x128xf32, #tpu.memory_space<vmem>>, vector<16xf32>,
        %parallel_loop3A_75 = arith.index_cast %parallel_loop3A_41 : i32 to index
        %parallel_loop3A_76 = arith.constant 48 : index
        %parallel_loop3A_77 = tpu.vector_load %arg10[%parallel_loop3A_75, %parallel_loop3A_76] {strides = array<i32>} : memref<128x128xf32, #tpu.memory_space<vmem>>, vector<16xf32>,
        %parallel_loop3A_78 = arith.mulf %parallel_loop3A_74, %parallel_loop3A_77 : vector<16xf32>
        %parallel_loop3A_79 = arith.index_cast %parallel_loop3A_41 : i32 to index
        %parallel_loop3A_80 = arith.constant 48 : index
        %parallel_loop3A_81 = tpu.vector_load %arg9[%parallel_loop3A_79, %parallel_loop3A_80] {strides = array<i32>} : memref<128x128xf32, #tpu.memory_space<vmem>>, vector<16xf32>,
        tpu.vector_store %arg9[%parallel_loop3A_79, %parallel_loop3A_80], %parallel_loop3A_78 {strides = array<i32>} : memref<128x128xf32, #tpu.memory_space<vmem>>, vector<16xf32>,
        %parallel_loop3A_82 = arith.index_cast %parallel_loop3A_41 : i32 to index
        %parallel_loop3A_83 = arith.constant 64 : index
        %parallel_loop3A_84 = tpu.vector_load %arg9[%parallel_loop3A_82, %parallel_loop3A_83] {strides = array<i32>} : memref<128x128xf32, #tpu.memory_space<vmem>>, vector<16xf32>,
        %parallel_loop3A_85 = arith.index_cast %parallel_loop3A_41 : i32 to index
        %parallel_loop3A_86 = arith.constant 64 : index
        %parallel_loop3A_87 = tpu.vector_load %arg10[%parallel_loop3A_85, %parallel_loop3A_86] {strides = array<i32>} : memref<128x128xf32, #tpu.memory_space<vmem>>, vector<16xf32>,
        %parallel_loop3A_88 = arith.mulf %parallel_loop3A_84, %parallel_loop3A_87 : vector<16xf32>
        %parallel_loop3A_89 = arith.index_cast %parallel_loop3A_41 : i32 to index
        %parallel_loop3A_90 = arith.constant 64 : index
        %parallel_loop3A_91 = tpu.vector_load %arg9[%parallel_loop3A_89, %parallel_loop3A_90] {strides = array<i32>} : memref<128x128xf32, #tpu.memory_space<vmem>>, vector<16xf32>,
        tpu.vector_store %arg9[%parallel_loop3A_89, %parallel_loop3A_90], %parallel_loop3A_88 {strides = array<i32>} : memref<128x128xf32, #tpu.memory_space<vmem>>, vector<16xf32>,
        %parallel_loop3A_92 = arith.index_cast %parallel_loop3A_41 : i32 to index
        %parallel_loop3A_93 = arith.constant 80 : index
        %parallel_loop3A_94 = tpu.vector_load %arg9[%parallel_loop3A_92, %parallel_loop3A_93] {strides = array<i32>} : memref<128x128xf32, #tpu.memory_space<vmem>>, vector<16xf32>,
        %parallel_loop3A_95 = arith.index_cast %parallel_loop3A_41 : i32 to index
        %parallel_loop3A_96 = arith.constant 80 : index
        %parallel_loop3A_97 = tpu.vector_load %arg10[%parallel_loop3A_95, %parallel_loop3A_96] {strides = array<i32>} : memref<128x128xf32, #tpu.memory_space<vmem>>, vector<16xf32>,
        %parallel_loop3A_98 = arith.mulf %parallel_loop3A_94, %parallel_loop3A_97 : vector<16xf32>
        %parallel_loop3A_99 = arith.index_cast %parallel_loop3A_41 : i32 to index
        %parallel_loop3A_100 = arith.constant 80 : index
        %parallel_loop3A_101 = tpu.vector_load %arg9[%parallel_loop3A_99, %parallel_loop3A_100] {strides = array<i32>} : memref<128x128xf32, #tpu.memory_space<vmem>>, vector<16xf32>,
        tpu.vector_store %arg9[%parallel_loop3A_99, %parallel_loop3A_100], %parallel_loop3A_98 {strides = array<i32>} : memref<128x128xf32, #tpu.memory_space<vmem>>, vector<16xf32>,
        %parallel_loop3A_102 = arith.index_cast %parallel_loop3A_41 : i32 to index
        %parallel_loop3A_103 = arith.constant 96 : index
        %parallel_loop3A_104 = tpu.vector_load %arg9[%parallel_loop3A_102, %parallel_loop3A_103] {strides = array<i32>} : memref<128x128xf32, #tpu.memory_space<vmem>>, vector<16xf32>,
        %parallel_loop3A_105 = arith.index_cast %parallel_loop3A_41 : i32 to index
        %parallel_loop3A_106 = arith.constant 96 : index
        %parallel_loop3A_107 = tpu.vector_load %arg10[%parallel_loop3A_105, %parallel_loop3A_106] {strides = array<i32>} : memref<128x128xf32, #tpu.memory_space<vmem>>, vector<16xf32>,
        %parallel_loop3A_108 = arith.mulf %parallel_loop3A_104, %parallel_loop3A_107 : vector<16xf32>
        %parallel_loop3A_109 = arith.index_cast %parallel_loop3A_41 : i32 to index
        %parallel_loop3A_110 = arith.constant 96 : index
        %parallel_loop3A_111 = tpu.vector_load %arg9[%parallel_loop3A_109, %parallel_loop3A_110] {strides = array<i32>} : memref<128x128xf32, #tpu.memory_space<vmem>>, vector<16xf32>,
        tpu.vector_store %arg9[%parallel_loop3A_109, %parallel_loop3A_110], %parallel_loop3A_108 {strides = array<i32>} : memref<128x128xf32, #tpu.memory_space<vmem>>, vector<16xf32>,
        %parallel_loop3A_112 = arith.index_cast %parallel_loop3A_41 : i32 to index
        %parallel_loop3A_113 = arith.constant 112 : index
        %parallel_loop3A_114 = tpu.vector_load %arg9[%parallel_loop3A_112, %parallel_loop3A_113] {strides = array<i32>} : memref<128x128xf32, #tpu.memory_space<vmem>>, vector<16xf32>,
        %parallel_loop3A_115 = arith.index_cast %parallel_loop3A_41 : i32 to index
        %parallel_loop3A_116 = arith.constant 112 : index
        %parallel_loop3A_117 = tpu.vector_load %arg10[%parallel_loop3A_115, %parallel_loop3A_116] {strides = array<i32>} : memref<128x128xf32, #tpu.memory_space<vmem>>, vector<16xf32>,
        %parallel_loop3A_118 = arith.mulf %parallel_loop3A_114, %parallel_loop3A_117 : vector<16xf32>
        %parallel_loop3A_119 = arith.index_cast %parallel_loop3A_41 : i32 to index
        %parallel_loop3A_120 = arith.constant 112 : index
        %parallel_loop3A_121 = tpu.vector_load %arg9[%parallel_loop3A_119, %parallel_loop3A_120] {strides = array<i32>} : memref<128x128xf32, #tpu.memory_space<vmem>>, vector<16xf32>,
        tpu.vector_store %arg9[%parallel_loop3A_119, %parallel_loop3A_120], %parallel_loop3A_118 {strides = array<i32>} : memref<128x128xf32, #tpu.memory_space<vmem>>, vector<16xf32>,
      } {sc.loop_unroll_factor = 4 : i64, sc.parallel_access}
      "tpu.region"() ({
        %run_scoped3A = tpu.sem_alloc : memref<!tpu.dma_semaphore, #tpu.memory_space<semaphore_mem>>
        %dma_start3A_41 = arith.constant 0 : i32
        %dma_start3A_42 = arith.constant 0 : i32
        %dma_start3A_43 = tpu.memref_slice %arg12[%dma_start3A_41, %dma_start3A_42] : memref<10240x128xf32, #tpu.memory_space<vmem_shared>> -> memref<10240x128xf32, #tpu.memory_space<vmem_shared>>
        tpu.enqueue_indirect_dma source(%arg9 : memref<128x128xf32, #tpu.memory_space<vmem>>) target(%dma_start3A_43 : memref<10240x128xf32, #tpu.memory_space<vmem_shared>>) offsets(%arg8 : memref<128xi32, #tpu.memory_space<vmem>>) semaphore(%run_scoped3A : memref<!tpu.dma_semaphore, #tpu.memory_space<semaphore_mem>>) {add = true}
        %dma_wait3A_44 = arith.constant 0 : i32
        %dma_wait3A_45 = arith.constant 0 : i32
        %dma_wait3A_46 = tpu.memref_slice %arg12[%dma_wait3A_44, %dma_wait3A_45] : memref<10240x128xf32, #tpu.memory_space<vmem_shared>> -> memref<10240x128xf32, #tpu.memory_space<vmem_shared>>
        tpu.wait_indirect_dma semaphore(%run_scoped3A : memref<!tpu.dma_semaphore, #tpu.memory_space<semaphore_mem>>) src(%arg9 : memref<128x128xf32, #tpu.memory_space<vmem>>) dst(%dma_wait3A_46 : memref<10240x128xf32, #tpu.memory_space<vmem_shared>>)
        tpu.yield
      }) : () -> ()
      %scan3A_40 = arith.constant 0 : i32
      scf.yield %scan3A_40 : i32
    }
    %scan3A_23 = arith.constant 40 : i32
    %barrier3A_24 = arith.constant 0 : index
    tpu.barrier barrier_id(%barrier3A_24)
    %mul3A_25 = arith.constant 640 : i32
    %mul3A_26 = arith.muli %arg1, %mul3A_25 : i32
    %mul3A_27 = arith.constant 640 : i32
    %mul3A_28 = arith.muli %arg1, %mul3A_27 : i32
    "tpu.region"() ({
      %run_scoped3A = tpu.sem_alloc : memref<!tpu.dma_semaphore, #tpu.memory_space<semaphore_mem>>
      %dma_start3A = arith.constant 0 : i32
      %dma_start3A_29 = tpu.memref_slice %arg6[%arg0, %mul3A_28, %dma_start3A] : memref<2x10240x128xf32, #tpu.memory_space<hbm>> -> memref<1x640x128xf32, #tpu.memory_space<hbm>>
      %dma_start3A_30 = tpu.memref_squeeze %dma_start3A_29 : memref<1x640x128xf32, #tpu.memory_space<hbm>> -> memref<640x128xf32, #tpu.memory_space<hbm>>
      %dma_start3A_31 = arith.constant 0 : i32
      %dma_start3A_32 = tpu.memref_slice %arg12[%mul3A_26, %dma_start3A_31] : memref<10240x128xf32, #tpu.memory_space<vmem_shared>> -> memref<640x128xf32, #tpu.memory_space<vmem_shared>>
      tpu.enqueue_dma source(%dma_start3A_32 : memref<640x128xf32, #tpu.memory_space<vmem_shared>>) target(%dma_start3A_30 : memref<640x128xf32, #tpu.memory_space<hbm>>) target_semaphore(%run_scoped3A : memref<!tpu.dma_semaphore, #tpu.memory_space<semaphore_mem>>)
      %dma_wait3A = arith.constant 0 : i32
      %dma_wait3A_33 = tpu.memref_slice %arg6[%arg0, %mul3A_28, %dma_wait3A] : memref<2x10240x128xf32, #tpu.memory_space<hbm>> -> memref<1x640x128xf32, #tpu.memory_space<hbm>>
      %dma_wait3A_34 = tpu.memref_squeeze %dma_wait3A_33 : memref<1x640x128xf32, #tpu.memory_space<hbm>> -> memref<640x128xf32, #tpu.memory_space<hbm>>
      %dma_wait3A_35 = arith.constant 0 : i32
      %dma_wait3A_36 = tpu.memref_slice %arg12[%mul3A_26, %dma_wait3A_35] : memref<10240x128xf32, #tpu.memory_space<vmem_shared>> -> memref<640x128xf32, #tpu.memory_space<vmem_shared>>
      tpu.wait_dma2 semaphore(%run_scoped3A : memref<!tpu.dma_semaphore, #tpu.memory_space<semaphore_mem>>) src(%dma_wait3A_36 : memref<640x128xf32, #tpu.memory_space<vmem_shared>>) dst(%dma_wait3A_34 : memref<640x128xf32, #tpu.memory_space<hbm>>)
      tpu.yield
    }) : () -> ()
    return
  }
}

module attributes {stable_mosaic.version = 14 : i64} {
  func.func @_tc_self_body(%arg0: i32, %arg1: memref<1000x128xf32, #tpu.memory_space<vmem>>, %arg2: memref<2x1000x128xf32, #tpu.memory_space<vmem>>, %arg3: memref<128x128xf32, #tpu.memory_space<vmem>>, %arg4: memref<1000x128xf32, #tpu.memory_space<vmem>>, %arg5: memref<1x128xf32, #tpu.memory_space<vmem>>) attributes {dimension_semantics = [#tpu.dimension_semantics<arbitrary>], iteration_bounds = array<i64: 10>, scalar_prefetch = 0 : i64, scratch_operands = 0 : i64, tpu.core_type = #tpu.core_type<tc>, window_params = [{transform_indices = @transform_0, window_bounds = array<i64: 1000, 128>}, {transform_indices = @transform_1, window_bounds = array<i64: 2, 1000, 128>}, {pipeline_mode = #tpu.pipeline_mode<synchronous>, transform_indices = @transform_2, window_bounds = array<i64: 128, 128>}, {transform_indices = @transform_3, window_bounds = array<i64: 1000, 128>}, {pipeline_mode = #tpu.pipeline_mode<synchronous>, transform_indices = @transform_4, window_bounds = array<i64: 1, 128>}]} {
    %get3A = arith.constant 0 : index
    %get3A_0 = arith.constant 0 : index
    %get3A_1 = arith.constant 0 : index
    %get3A_2 = vector.load %arg2[%get3A, %get3A_0, %get3A_1] : memref<2x1000x128xf32, #tpu.memory_space<vmem>>, vector<1x1000x128xf32>
    %get3A_3 = vector.shape_cast %get3A_2 : vector<1x1000x128xf32> to vector<1000x128xf32>
    %get3A_4 = arith.constant 1 : index
    %get3A_5 = arith.constant 0 : index
    %get3A_6 = arith.constant 0 : index
    %get3A_7 = vector.load %arg2[%get3A_4, %get3A_5, %get3A_6] : memref<2x1000x128xf32, #tpu.memory_space<vmem>>, vector<1x1000x128xf32>
    %get3A_8 = vector.shape_cast %get3A_7 : vector<1x1000x128xf32> to vector<1000x128xf32>
    %add3A = arith.addf %get3A_3, %get3A_8 : vector<1000x128xf32>
    %mul3A = arith.constant 2.500000e-01 : f32
    %mul3A_9 = vector.broadcast %mul3A : f32 to vector<1000x128xf32>
    %mul3A_10 = arith.mulf %add3A, %mul3A_9 : vector<1000x128xf32>
    %get3A_11 = arith.constant 0 : index
    %get3A_12 = arith.constant 0 : index
    %get3A_13 = vector.load %arg1[%get3A_11, %get3A_12] : memref<1000x128xf32, #tpu.memory_space<vmem>>, vector<1000x128xf32>
    %add3A_14 = arith.addf %get3A_13, %mul3A_10 : vector<1000x128xf32>
    %get3A_15 = arith.constant 0 : index
    %get3A_16 = arith.constant 0 : index
    %get3A_17 = vector.load %arg3[%get3A_15, %get3A_16] : memref<128x128xf32, #tpu.memory_space<vmem>>, vector<128x128xf32>
    %dot_general3A = arith.constant dense<0.000000e+00> : vector<1000x128xf32>
    %dot_general3A_18 = tpu.matmul %add3A_14, %get3A_17, %dot_general3A {dimension_numbers = #tpu.dot_dimension_numbers<[1], [0], [0], [1], [0, 0, 1, 1], [], []>, transpose_lhs_hint = false} : vector<1000x128xf32>, vector<128x128xf32>, vector<1000x128xf32> -> vector<1000x128xf32>
    %logistic3A = arith.negf %dot_general3A_18 : vector<1000x128xf32>
    %logistic3A_19 = math.exp %logistic3A : vector<1000x128xf32>
    %logistic3A_20 = arith.constant 1.000000e+00 : f32
    %logistic3A_21 = vector.broadcast %logistic3A_20 : f32 to vector<1000x128xf32>
    %logistic3A_22 = arith.addf %logistic3A_21, %logistic3A_19 : vector<1000x128xf32>
    %logistic3A_23 = arith.divf %logistic3A_21, %logistic3A_22 : vector<1000x128xf32>
    %mul3A_24 = arith.mulf %dot_general3A_18, %logistic3A_23 : vector<1000x128xf32>
    %swap3A = arith.constant 0 : index
    %swap3A_25 = arith.constant 0 : index
    %swap3A_26 = vector.load %arg4[%swap3A, %swap3A_25] : memref<1000x128xf32, #tpu.memory_space<vmem>>, vector<1000x128xf32>
    tpu.vector_store %arg4[%swap3A, %swap3A_25], %mul3A_24 {strides = array<i32>} : memref<1000x128xf32, #tpu.memory_space<vmem>>, vector<1000x128xf32>,
    %eq3A = arith.constant 0 : i32
    %eq3A_27 = arith.cmpi eq, %arg0, %eq3A : i32
    %convert_element_type3A = arith.extui %eq3A_27 : i1 to i32
    %cond3A = arith.constant 0 : i32
    %cond3A_28 = arith.cmpi ne, %convert_element_type3A, %cond3A : i32
    scf.if %cond3A_28 {
      %broadcast_in_dim3A_37 = arith.constant 0.000000e+00 : f32
      %broadcast_in_dim3A_38 = vector.broadcast %broadcast_in_dim3A_37 : f32 to vector<1x128xf32>
      %swap3A_39 = arith.constant 0 : index
      %swap3A_40 = arith.constant 0 : index
      %swap3A_41 = vector.load %arg5[%swap3A_39, %swap3A_40] : memref<1x128xf32, #tpu.memory_space<vmem>>, vector<1x128xf32>
      tpu.vector_store %arg5[%swap3A_39, %swap3A_40], %broadcast_in_dim3A_38 {strides = array<i32>} : memref<1x128xf32, #tpu.memory_space<vmem>>, vector<1x128xf32>,
    } else {
    }
    %get3A_29 = arith.constant 0 : index
    %get3A_30 = arith.constant 0 : index
    %get3A_31 = vector.load %arg5[%get3A_29, %get3A_30] : memref<1x128xf32, #tpu.memory_space<vmem>>, vector<1x128xf32>
    %reduce_sum3A = arith.constant dense<0.000000e+00> : vector<128xf32>
    %reduce_sum3A_32 = vector.multi_reduction <add>, %mul3A_24, %reduce_sum3A [0] : vector<1000x128xf32> to vector<128xf32>
    %broadcast_in_dim3A = vector.shape_cast %reduce_sum3A_32 : vector<128xf32> to vector<1x128xf32>
    %add3A_33 = arith.addf %get3A_31, %broadcast_in_dim3A : vector<1x128xf32>
    %swap3A_34 = arith.constant 0 : index
    %swap3A_35 = arith.constant 0 : index
    %swap3A_36 = vector.load %arg5[%swap3A_34, %swap3A_35] : memref<1x128xf32, #tpu.memory_space<vmem>>, vector<1x128xf32>
    tpu.vector_store %arg5[%swap3A_34, %swap3A_35], %add3A_33 {strides = array<i32>} : memref<1x128xf32, #tpu.memory_space<vmem>>, vector<1x128xf32>,
    return
  }
  func.func @transform_0(%arg0: i32) -> (i32, i32) {
    %c0_i32 = arith.constant 0 : i32
    %c0_i32_0 = arith.constant 0 : i32
    return %arg0, %c0_i32 : i32, i32
  }
  func.func @transform_1(%arg0: i32) -> (i32, i32, i32) {
    %c0_i32 = arith.constant 0 : i32
    %c0_i32_0 = arith.constant 0 : i32
    %c0_i32_1 = arith.constant 0 : i32
    return %c0_i32, %arg0, %c0_i32_0 : i32, i32, i32
  }
  func.func @transform_2(%arg0: i32) -> (i32, i32) {
    %c0_i32 = arith.constant 0 : i32
    %c0_i32_0 = arith.constant 0 : i32
    %c0_i32_1 = arith.constant 0 : i32
    return %c0_i32, %c0_i32_0 : i32, i32
  }
  func.func @transform_3(%arg0: i32) -> (i32, i32) {
    %c0_i32 = arith.constant 0 : i32
    %c0_i32_0 = arith.constant 0 : i32
    return %arg0, %c0_i32 : i32, i32
  }
  func.func @transform_4(%arg0: i32) -> (i32, i32) {
    %c0_i32 = arith.constant 0 : i32
    %c0_i32_0 = arith.constant 0 : i32
    %c0_i32_1 = arith.constant 0 : i32
    return %c0_i32, %c0_i32_0 : i32, i32
  }
}

module attributes {stable_mosaic.version = 14 : i64} {
  func.func @_tc_radial_body(%arg0: i32, %arg1: memref<1x1x4096xf32, #tpu.memory_space<vmem>>, %arg2: memref<8x64xf32, #tpu.memory_space<vmem>>, %arg3: memref<64x64xf32, #tpu.memory_space<vmem>>, %arg4: memref<64x128xf32, #tpu.memory_space<vmem>>, %arg5: memref<4096x128xf32, #tpu.memory_space<vmem>>) attributes {dimension_semantics = [#tpu.dimension_semantics<arbitrary>], iteration_bounds = array<i64: 40>, scalar_prefetch = 0 : i64, scratch_operands = 0 : i64, tpu.core_type = #tpu.core_type<tc>, window_params = [{transform_indices = @transform_0, window_bounds = array<i64: 1, 1, 4096>}, {pipeline_mode = #tpu.pipeline_mode<synchronous>, transform_indices = @transform_1, window_bounds = array<i64: 8, 64>}, {pipeline_mode = #tpu.pipeline_mode<synchronous>, transform_indices = @transform_2, window_bounds = array<i64: 64, 64>}, {pipeline_mode = #tpu.pipeline_mode<synchronous>, transform_indices = @transform_3, window_bounds = array<i64: 64, 128>}, {transform_indices = @transform_4, window_bounds = array<i64: 4096, 128>}]} {
    %get3A = arith.constant 0 : index
    %get3A_0 = arith.constant 0 : index
    %get3A_1 = arith.constant 0 : index
    %get3A_2 = vector.load %arg1[%get3A, %get3A_0, %get3A_1] : memref<1x1x4096xf32, #tpu.memory_space<vmem>>, vector<1x1x4096xf32>
    %get3A_3 = vector.shape_cast %get3A_2 : vector<1x1x4096xf32> to vector<1x4096xf32>
    %add3A = arith.constant 9.99999996E-13 : f32
    %add3A_4 = vector.broadcast %add3A : f32 to vector<1x4096xf32>
    %add3A_5 = arith.addf %get3A_3, %add3A_4 : vector<1x4096xf32>
    %sqrt3A = math.sqrt %add3A_5 : vector<1x4096xf32>
    %mul3A = arith.constant 2.500000e-01 : f32
    %mul3A_6 = vector.broadcast %mul3A : f32 to vector<1x4096xf32>
    %mul3A_7 = arith.mulf %sqrt3A, %mul3A_6 : vector<1x4096xf32>
    %jit3A = arith.constant 0.000000e+00 : f32
    %jit3A_8 = arith.constant 1.000000e+00 : f32
    %max3A = vector.broadcast %jit3A : f32 to vector<1x4096xf32>
    %max3A_9 = arith.maximumf %max3A, %mul3A_7 : vector<1x4096xf32>
    %min3A = vector.broadcast %jit3A_8 : f32 to vector<1x4096xf32>
    %min3A_10 = arith.minimumf %min3A, %max3A_9 : vector<1x4096xf32>
    %mul3A_11 = arith.constant 3.14159274 : f32
    %mul3A_12 = vector.broadcast %mul3A_11 : f32 to vector<1x4096xf32>
    %mul3A_13 = arith.mulf %mul3A_12, %min3A_10 : vector<1x4096xf32>
    %cos3A = math.cos %mul3A_13 : vector<1x4096xf32>
    %add3A_14 = arith.constant 1.000000e+00 : f32
    %add3A_15 = vector.broadcast %add3A_14 : f32 to vector<1x4096xf32>
    %add3A_16 = arith.addf %cos3A, %add3A_15 : vector<1x4096xf32>
    %mul3A_17 = arith.constant 5.000000e-01 : f32
    %mul3A_18 = vector.broadcast %mul3A_17 : f32 to vector<1x4096xf32>
    %mul3A_19 = arith.mulf %mul3A_18, %add3A_16 : vector<1x4096xf32>
    %iota3A = tpu.iota {dimensions = array<i32: 0>} : vector<8x4096xi32>
    %convert_element_type3A = arith.sitofp %iota3A : vector<8x4096xi32> to vector<8x4096xf32>
    %mul3A_20 = arith.constant 0.571428597 : f32
    %mul3A_21 = vector.broadcast %mul3A_20 : f32 to vector<8x4096xf32>
    %mul3A_22 = arith.mulf %convert_element_type3A, %mul3A_21 : vector<8x4096xf32>
    %broadcast_in_dim3A = vector.shape_cast %sqrt3A : vector<1x4096xf32> to vector<1x4096xf32>
    %broadcast_in_dim3A_23 = vector.broadcast %broadcast_in_dim3A : vector<1x4096xf32> to vector<8x4096xf32>
    %sub3A = arith.subf %broadcast_in_dim3A_23, %mul3A_22 : vector<8x4096xf32>
    %mul3A_24 = arith.constant 2.000000e+00 : f32
    %mul3A_25 = vector.broadcast %mul3A_24 : f32 to vector<8x4096xf32>
    %mul3A_26 = arith.mulf %sub3A, %mul3A_25 : vector<8x4096xf32>
    %mul3A_27 = arith.mulf %mul3A_26, %mul3A_26 : vector<8x4096xf32>
    %neg3A = arith.constant 0.000000e+00 : f32
    %neg3A_28 = vector.broadcast %neg3A : f32 to vector<8x4096xf32>
    %neg3A_29 = arith.subf %neg3A_28, %mul3A_27 : vector<8x4096xf32>
    %exp3A = math.exp %neg3A_29 : vector<8x4096xf32>
    %broadcast_in_dim3A_30 = vector.shape_cast %mul3A_19 : vector<1x4096xf32> to vector<1x4096xf32>
    %broadcast_in_dim3A_31 = vector.broadcast %broadcast_in_dim3A_30 : vector<1x4096xf32> to vector<8x4096xf32>
    %mul3A_32 = arith.mulf %exp3A, %broadcast_in_dim3A_31 : vector<8x4096xf32>
    %transpose3A = tpu.transpose %mul3A_32, [1, 0] : vector<8x4096xf32> -> vector<4096x8xf32>
    %get3A_33 = arith.constant 0 : index
    %get3A_34 = arith.constant 0 : index
    %get3A_35 = vector.load %arg2[%get3A_33, %get3A_34] : memref<8x64xf32, #tpu.memory_space<vmem>>, vector<8x64xf32>
    %dot_general3A = arith.constant dense<0.000000e+00> : vector<4096x64xf32>
    %dot_general3A_36 = tpu.matmul %transpose3A, %get3A_35, %dot_general3A {dimension_numbers = #tpu.dot_dimension_numbers<[1], [0], [0], [1], [0, 0, 1, 1], [], []>, transpose_lhs_hint = false} : vector<4096x8xf32>, vector<8x64xf32>, vector<4096x64xf32> -> vector<4096x64xf32>
    %logistic3A = arith.negf %dot_general3A_36 : vector<4096x64xf32>
    %logistic3A_37 = math.exp %logistic3A : vector<4096x64xf32>
    %logistic3A_38 = arith.constant 1.000000e+00 : f32
    %logistic3A_39 = vector.broadcast %logistic3A_38 : f32 to vector<4096x64xf32>
    %logistic3A_40 = arith.addf %logistic3A_39, %logistic3A_37 : vector<4096x64xf32>
    %logistic3A_41 = arith.divf %logistic3A_39, %logistic3A_40 : vector<4096x64xf32>
    %mul3A_42 = arith.mulf %dot_general3A_36, %logistic3A_41 : vector<4096x64xf32>
    %get3A_43 = arith.constant 0 : index
    %get3A_44 = arith.constant 0 : index
    %get3A_45 = vector.load %arg3[%get3A_43, %get3A_44] : memref<64x64xf32, #tpu.memory_space<vmem>>, vector<64x64xf32>
    %dot_general3A_46 = arith.constant dense<0.000000e+00> : vector<4096x64xf32>
    %dot_general3A_47 = tpu.matmul %mul3A_42, %get3A_45, %dot_general3A_46 {dimension_numbers = #tpu.dot_dimension_numbers<[1], [0], [0], [1], [0, 0, 1, 1], [], []>, transpose_lhs_hint = false} : vector<4096x64xf32>, vector<64x64xf32>, vector<4096x64xf32> -> vector<4096x64xf32>
    %logistic3A_48 = arith.negf %dot_general3A_47 : vector<4096x64xf32>
    %logistic3A_49 = math.exp %logistic3A_48 : vector<4096x64xf32>
    %logistic3A_50 = arith.constant 1.000000e+00 : f32
    %logistic3A_51 = vector.broadcast %logistic3A_50 : f32 to vector<4096x64xf32>
    %logistic3A_52 = arith.addf %logistic3A_51, %logistic3A_49 : vector<4096x64xf32>
    %logistic3A_53 = arith.divf %logistic3A_51, %logistic3A_52 : vector<4096x64xf32>
    %mul3A_54 = arith.mulf %dot_general3A_47, %logistic3A_53 : vector<4096x64xf32>
    %get3A_55 = arith.constant 0 : index
    %get3A_56 = arith.constant 0 : index
    %get3A_57 = vector.load %arg4[%get3A_55, %get3A_56] : memref<64x128xf32, #tpu.memory_space<vmem>>, vector<64x128xf32>
    %dot_general3A_58 = arith.constant dense<0.000000e+00> : vector<4096x128xf32>
    %dot_general3A_59 = tpu.matmul %mul3A_54, %get3A_57, %dot_general3A_58 {dimension_numbers = #tpu.dot_dimension_numbers<[1], [0], [0], [1], [0, 0, 1, 1], [], []>, transpose_lhs_hint = false} : vector<4096x64xf32>, vector<64x128xf32>, vector<4096x128xf32> -> vector<4096x128xf32>
    %swap3A = arith.constant 0 : index
    %swap3A_60 = arith.constant 0 : index
    %swap3A_61 = vector.load %arg5[%swap3A, %swap3A_60] : memref<4096x128xf32, #tpu.memory_space<vmem>>, vector<4096x128xf32>
    tpu.vector_store %arg5[%swap3A, %swap3A_60], %dot_general3A_59 {strides = array<i32>} : memref<4096x128xf32, #tpu.memory_space<vmem>>, vector<4096x128xf32>,
    return
  }
  func.func @transform_0(%arg0: i32) -> (i32, i32, i32) {
    %c0_i32 = arith.constant 0 : i32
    %c0_i32_0 = arith.constant 0 : i32
    %c0_i32_1 = arith.constant 0 : i32
    return %arg0, %c0_i32, %c0_i32_0 : i32, i32, i32
  }
  func.func @transform_1(%arg0: i32) -> (i32, i32) {
    %c0_i32 = arith.constant 0 : i32
    %c0_i32_0 = arith.constant 0 : i32
    %c0_i32_1 = arith.constant 0 : i32
    return %c0_i32, %c0_i32_0 : i32, i32
  }
  func.func @transform_2(%arg0: i32) -> (i32, i32) {
    %c0_i32 = arith.constant 0 : i32
    %c0_i32_0 = arith.constant 0 : i32
    %c0_i32_1 = arith.constant 0 : i32
    return %c0_i32, %c0_i32_0 : i32, i32
  }
  func.func @transform_3(%arg0: i32) -> (i32, i32) {
    %c0_i32 = arith.constant 0 : i32
    %c0_i32_0 = arith.constant 0 : i32
    %c0_i32_1 = arith.constant 0 : i32
    return %c0_i32, %c0_i32_0 : i32, i32
  }
  func.func @transform_4(%arg0: i32) -> (i32, i32) {
    %c0_i32 = arith.constant 0 : i32
    %c0_i32_0 = arith.constant 0 : i32
    return %arg0, %c0_i32 : i32, i32
  }
}

module attributes {stable_mosaic.version = 14 : i64} {
  func.func @_tc_self_body(%arg0: i32, %arg1: memref<1000x128xf32, #tpu.memory_space<vmem>>, %arg2: memref<2x1000x128xf32, #tpu.memory_space<vmem>>, %arg3: memref<128x128xf32, #tpu.memory_space<vmem>>, %arg4: memref<1000x128xf32, #tpu.memory_space<vmem>>, %arg5: memref<1x128xf32, #tpu.memory_space<vmem>>) attributes {dimension_semantics = [#tpu.dimension_semantics<arbitrary>], iteration_bounds = array<i64: 10>, scalar_prefetch = 0 : i64, scratch_operands = 0 : i64, tpu.core_type = #tpu.core_type<tc>, window_params = [{transform_indices = @transform_0, window_bounds = array<i64: 1000, 128>}, {transform_indices = @transform_1, window_bounds = array<i64: 2, 1000, 128>}, {pipeline_mode = #tpu.pipeline_mode<synchronous>, transform_indices = @transform_2, window_bounds = array<i64: 128, 128>}, {transform_indices = @transform_3, window_bounds = array<i64: 1000, 128>}, {pipeline_mode = #tpu.pipeline_mode<synchronous>, transform_indices = @transform_4, window_bounds = array<i64: 1, 128>}]} {
    %get3A = arith.constant 0 : index
    %get3A_0 = arith.constant 0 : index
    %get3A_1 = arith.constant 0 : index
    %get3A_2 = vector.load %arg2[%get3A, %get3A_0, %get3A_1] : memref<2x1000x128xf32, #tpu.memory_space<vmem>>, vector<1x1000x128xf32>
    %get3A_3 = vector.shape_cast %get3A_2 : vector<1x1000x128xf32> to vector<1000x128xf32>
    %get3A_4 = arith.constant 1 : index
    %get3A_5 = arith.constant 0 : index
    %get3A_6 = arith.constant 0 : index
    %get3A_7 = vector.load %arg2[%get3A_4, %get3A_5, %get3A_6] : memref<2x1000x128xf32, #tpu.memory_space<vmem>>, vector<1x1000x128xf32>
    %get3A_8 = vector.shape_cast %get3A_7 : vector<1x1000x128xf32> to vector<1000x128xf32>
    %add3A = arith.addf %get3A_3, %get3A_8 : vector<1000x128xf32>
    %mul3A = arith.constant 2.500000e-01 : f32
    %mul3A_9 = vector.broadcast %mul3A : f32 to vector<1000x128xf32>
    %mul3A_10 = arith.mulf %add3A, %mul3A_9 : vector<1000x128xf32>
    %get3A_11 = arith.constant 0 : index
    %get3A_12 = arith.constant 0 : index
    %get3A_13 = vector.load %arg1[%get3A_11, %get3A_12] : memref<1000x128xf32, #tpu.memory_space<vmem>>, vector<1000x128xf32>
    %add3A_14 = arith.addf %get3A_13, %mul3A_10 : vector<1000x128xf32>
    %get3A_15 = arith.constant 0 : index
    %get3A_16 = arith.constant 0 : index
    %get3A_17 = vector.load %arg3[%get3A_15, %get3A_16] : memref<128x128xf32, #tpu.memory_space<vmem>>, vector<128x128xf32>
    %dot_general3A = arith.constant dense<0.000000e+00> : vector<1000x128xf32>
    %dot_general3A_18 = tpu.matmul %add3A_14, %get3A_17, %dot_general3A {dimension_numbers = #tpu.dot_dimension_numbers<[1], [0], [0], [1], [0, 0, 1, 1], [], []>, transpose_lhs_hint = false} : vector<1000x128xf32>, vector<128x128xf32>, vector<1000x128xf32> -> vector<1000x128xf32>
    %logistic3A = arith.negf %dot_general3A_18 : vector<1000x128xf32>
    %logistic3A_19 = math.exp %logistic3A : vector<1000x128xf32>
    %logistic3A_20 = arith.constant 1.000000e+00 : f32
    %logistic3A_21 = vector.broadcast %logistic3A_20 : f32 to vector<1000x128xf32>
    %logistic3A_22 = arith.addf %logistic3A_21, %logistic3A_19 : vector<1000x128xf32>
    %logistic3A_23 = arith.divf %logistic3A_21, %logistic3A_22 : vector<1000x128xf32>
    %mul3A_24 = arith.mulf %dot_general3A_18, %logistic3A_23 : vector<1000x128xf32>
    %swap3A = arith.constant 0 : index
    %swap3A_25 = arith.constant 0 : index
    %swap3A_26 = vector.load %arg4[%swap3A, %swap3A_25] : memref<1000x128xf32, #tpu.memory_space<vmem>>, vector<1000x128xf32>
    tpu.vector_store %arg4[%swap3A, %swap3A_25], %mul3A_24 {strides = array<i32>} : memref<1000x128xf32, #tpu.memory_space<vmem>>, vector<1000x128xf32>,
    %eq3A = arith.constant 0 : i32
    %eq3A_27 = arith.cmpi eq, %arg0, %eq3A : i32
    %convert_element_type3A = arith.extui %eq3A_27 : i1 to i32
    %cond3A = arith.constant 0 : i32
    %cond3A_28 = arith.cmpi ne, %convert_element_type3A, %cond3A : i32
    scf.if %cond3A_28 {
      %broadcast_in_dim3A_37 = arith.constant 0.000000e+00 : f32
      %broadcast_in_dim3A_38 = vector.broadcast %broadcast_in_dim3A_37 : f32 to vector<1x128xf32>
      %swap3A_39 = arith.constant 0 : index
      %swap3A_40 = arith.constant 0 : index
      %swap3A_41 = vector.load %arg5[%swap3A_39, %swap3A_40] : memref<1x128xf32, #tpu.memory_space<vmem>>, vector<1x128xf32>
      tpu.vector_store %arg5[%swap3A_39, %swap3A_40], %broadcast_in_dim3A_38 {strides = array<i32>} : memref<1x128xf32, #tpu.memory_space<vmem>>, vector<1x128xf32>,
    } else {
    }
    %get3A_29 = arith.constant 0 : index
    %get3A_30 = arith.constant 0 : index
    %get3A_31 = vector.load %arg5[%get3A_29, %get3A_30] : memref<1x128xf32, #tpu.memory_space<vmem>>, vector<1x128xf32>
    %reduce_sum3A = arith.constant dense<0.000000e+00> : vector<128xf32>
    %reduce_sum3A_32 = vector.multi_reduction <add>, %mul3A_24, %reduce_sum3A [0] : vector<1000x128xf32> to vector<128xf32>
    %broadcast_in_dim3A = vector.shape_cast %reduce_sum3A_32 : vector<128xf32> to vector<1x128xf32>
    %add3A_33 = arith.addf %get3A_31, %broadcast_in_dim3A : vector<1x128xf32>
    %swap3A_34 = arith.constant 0 : index
    %swap3A_35 = arith.constant 0 : index
    %swap3A_36 = vector.load %arg5[%swap3A_34, %swap3A_35] : memref<1x128xf32, #tpu.memory_space<vmem>>, vector<1x128xf32>
    tpu.vector_store %arg5[%swap3A_34, %swap3A_35], %add3A_33 {strides = array<i32>} : memref<1x128xf32, #tpu.memory_space<vmem>>, vector<1x128xf32>,
    return
  }
  func.func @transform_0(%arg0: i32) -> (i32, i32) {
    %c0_i32 = arith.constant 0 : i32
    %c0_i32_0 = arith.constant 0 : i32
    return %arg0, %c0_i32 : i32, i32
  }
  func.func @transform_1(%arg0: i32) -> (i32, i32, i32) {
    %c0_i32 = arith.constant 0 : i32
    %c0_i32_0 = arith.constant 0 : i32
    %c0_i32_1 = arith.constant 0 : i32
    return %c0_i32, %arg0, %c0_i32_0 : i32, i32, i32
  }
  func.func @transform_2(%arg0: i32) -> (i32, i32) {
    %c0_i32 = arith.constant 0 : i32
    %c0_i32_0 = arith.constant 0 : i32
    %c0_i32_1 = arith.constant 0 : i32
    return %c0_i32, %c0_i32_0 : i32, i32
  }
  func.func @transform_3(%arg0: i32) -> (i32, i32) {
    %c0_i32 = arith.constant 0 : i32
    %c0_i32_0 = arith.constant 0 : i32
    return %arg0, %c0_i32 : i32, i32
  }
  func.func @transform_4(%arg0: i32) -> (i32, i32) {
    %c0_i32 = arith.constant 0 : i32
    %c0_i32_0 = arith.constant 0 : i32
    %c0_i32_1 = arith.constant 0 : i32
    return %c0_i32, %c0_i32_0 : i32, i32
  }
}

module attributes {stable_mosaic.version = 14 : i64} {
  func.func @_tc_readout_body(%arg0: i32, %arg1: memref<1x128xf32, #tpu.memory_space<vmem>>, %arg2: memref<128x3072xf32, #tpu.memory_space<vmem>>, %arg3: memref<1x3072xf32, #tpu.memory_space<vmem>>) attributes {dimension_semantics = [#tpu.dimension_semantics<arbitrary>], iteration_bounds = array<i64: 10>, scalar_prefetch = 0 : i64, scratch_operands = 0 : i64, tpu.core_type = #tpu.core_type<tc>, window_params = [{pipeline_mode = #tpu.pipeline_mode<synchronous>, transform_indices = @transform_0, window_bounds = array<i64: 1, 128>}, {transform_indices = @transform_1, window_bounds = array<i64: 128, 3072>}, {transform_indices = @transform_2, window_bounds = array<i64: 1, 3072>}]} {
    %get3A = arith.constant 0 : index
    %get3A_0 = arith.constant 0 : index
    %get3A_1 = vector.load %arg1[%get3A, %get3A_0] : memref<1x128xf32, #tpu.memory_space<vmem>>, vector<1x128xf32>
    %mul3A = arith.constant 9.99999974E-5 : f32
    %mul3A_2 = vector.broadcast %mul3A : f32 to vector<1x128xf32>
    %mul3A_3 = arith.mulf %get3A_1, %mul3A_2 : vector<1x128xf32>
    %get3A_4 = arith.constant 0 : index
    %get3A_5 = arith.constant 0 : index
    %get3A_6 = vector.load %arg2[%get3A_4, %get3A_5] : memref<128x3072xf32, #tpu.memory_space<vmem>>, vector<128x3072xf32>
    %dot_general3A = arith.constant dense<0.000000e+00> : vector<1x3072xf32>
    %dot_general3A_7 = tpu.matmul %mul3A_3, %get3A_6, %dot_general3A {dimension_numbers = #tpu.dot_dimension_numbers<[1], [0], [0], [1], [0, 0, 1, 1], [], []>, transpose_lhs_hint = false} : vector<1x128xf32>, vector<128x3072xf32>, vector<1x3072xf32> -> vector<1x3072xf32>
    %swap3A = arith.constant 0 : index
    %swap3A_8 = arith.constant 0 : index
    %swap3A_9 = vector.load %arg3[%swap3A, %swap3A_8] : memref<1x3072xf32, #tpu.memory_space<vmem>>, vector<1x3072xf32>
    tpu.vector_store %arg3[%swap3A, %swap3A_8], %dot_general3A_7 {strides = array<i32>} : memref<1x3072xf32, #tpu.memory_space<vmem>>, vector<1x3072xf32>,
    return
  }
  func.func @transform_0(%arg0: i32) -> (i32, i32) {
    %c0_i32 = arith.constant 0 : i32
    %c0_i32_0 = arith.constant 0 : i32
    %c0_i32_1 = arith.constant 0 : i32
    return %c0_i32, %c0_i32_0 : i32, i32
  }
  func.func @transform_1(%arg0: i32) -> (i32, i32) {
    %c0_i32 = arith.constant 0 : i32
    %c0_i32_0 = arith.constant 0 : i32
    return %c0_i32, %arg0 : i32, i32
  }
  func.func @transform_2(%arg0: i32) -> (i32, i32) {
    %c0_i32 = arith.constant 0 : i32
    %c0_i32_0 = arith.constant 0 : i32
    return %c0_i32, %arg0 : i32, i32
  }
}

</mosaic_0001>

<sc_bundles>
// kernel: kernel.10.cloned.1.call-start
scs
__scs_entry_jumppad:
0x0: {  	(pc) =	sbr.rel $0x88, $3  }
0x1: {  	(tag) =	ssettag $0x0;
	lr =	simm.s32 $0x1  }
0x2: {  	[smem:$0x3F95] =	sst lr;
	_ =	strace $0xD0000000  }
0x3: {  	_ = 	snop  }
0x4: {  	_ = 	snop  }
0x5: {  	_ = 	snop  }
0x6: {  	_ = 	snop  }
0x7: {  	_ = 	snop  }
__scs_overlays_trampoline_lowered:
0x8: {  	[smem:$0x3FA4] =	sst s0  }
0x9: {  	[smem:$0x3FA5] =	sst s1  }
0xa: {  	[smem:$0x3FA6] =	sst s2  }
0xb: {  	[smem:$0x3FA7] =	sst s3  }
0xc: {  	[smem:$0x3FA8] =	sst s4  }
0xd: {  	[smem:$0x3FA9] =	sst s5  }
0xe: {  	[smem:$0x3FAA] =	sst s6  }
0xf: {  	[smem:$0x3FAB] =	sst s7  }
0x10: {  	[smem:$0x3FAC] =	sst s8  }
0x11: {  	[smem:$0x3FAD] =	sst s9;
	s0 =	simm.s32 @!p0 $0x0  }
0x12: {  	s1 =	sld [smem:$0x3F93];
	s0 =	simm.s32 @p0 $0x1  }
0x13: {  	[smem:$0x3FAE] =	sst s0;
	s0 =	simm.s32 @!p1 $0x0  }
0x14: {  	s2 =	sld [smem:$0x3F92];
	s0 =	simm.s32 @p1 $0x1  }
0x15: {  	[smem:$0x3FAF] =	sst s0;
	s0 =	simm.s32 @!p2 $0x0  }
0x16: {  	s3 =	sld [smem:$0x3FDB];
	s0 =	simm.s32 @p2 $0x1  }
0x17: {  	s4 =	simm.s32 $0x1BF5;
	[smem:$0x3FB1] =	sst s0  }
0x18: {  	s0 =	sld [smem:$0x3F94];
	_ =	swait.ge [sflag:s4], $0x0  }
0x19: {  	s7 =	sld [smem:$0x3F95]  }
0x1a: {  	s8 =	sadd.s32 $0xFFFFE003, lr  }
0x1b: {  	s9 =	sadd.s32 $0xFFFFFEF7, lr;
	s5 =	simm.s32 $0xFFFFFFFF;
	p2 =	slt.u32 s8, $0xFFFFF086  }
0x1c: {  	p1 =	slt.u32 s9, $0xF7A;
	s5 =	simm.s32 @!p2 $0x0  }
0x1d: {  	s5 =	simm.s32 @p1 $0x1;
	p0 =	seq.s32 s7, s2  }
0x1e: {  	s7 =	smul.u32 @!p0 $0xF7A, s2;
	p2 =	seq.s32 @!p0 s5, $0x0  }
0x1f: {  	s9 =	smul.u32 $0xF7A, s1;
	s8 =	simm.s32 @!p0 $0x1BF5;
	p2 =	por !p2, p0  }
0x20: {  	[sflag:s8] =	ssyncset.s32 @!p0 $0xFFFFF086;
	s6 =	sadd.s32 @!p0 s3, s7;
	s7 =	simm.s32 @!p0 $0x108  }
0x21: {  	s3 =	sadd.s32 s3, s9;
	s6 =	sadd.s32 @!p0 $0x88, s6;
	s7 =	simm.s32 @p2 $0x1082  }
0x22: {  	[simem:s7], [sflag:s8] =	dma.local @!p0 [hbm:s6], $0xF7A  }
0x23: {  	s9 =	sor.u32 $0xD0000000, s2;
	s6 =	simm.s32 $0x108;
	_ =	swait.ge @!p0 [sflag:s8], $0x0  }
0x24: {  	s3 =	sadd.s32 $0x88, s3;
	s6 =	simm.s32 @!p1 $0x1082;
	[sflag:s4] =	ssyncset.s32 $0xFFFFF086  }
0x25: {  	[simem:s6], [sflag:s4] =	dma.local [hbm:s3], $0xF7A  }
0x26: {  	[smem:$0x3F95] =	sst s1;
	(tag) =	ssettag s2;
	_ =	strace s9  }
0x27: {  	s1 =	sld [smem:$0x3FA5]  }
0x28: {  	s2 =	sld [smem:$0x3FA6]  }
0x29: {  	s4 =	sld [smem:$0x3FA8]  }
0x2a: {  	p0 =	seq.s32 s5, $0x0;
	s5 =	sld [smem:$0x3FA9]  }
0x2b: {  	s6 =	sld [smem:$0x3FAA]  }
0x2c: {  	s7 =	sld [smem:$0x3FAB]  }
0x2d: {  	s3 =	simm.s32 $0x108;
	s8 =	sld [smem:$0x3FAC]  }
0x2e: {  	s3 =	simm.s32 @!p0 $0x1082;
	s9 =	sld [smem:$0x3FAD]  }
0x2f: {  	lr =	sadd.s32 s0, s3;
	s0 =	sld [smem:$0x3FA4]  }
0x30: {  	s3 =	sld [smem:$0x3FA7]  }
0x31: {  	[smem:$0x3FB0] =	sst s10  }
0x32: {  	s10 =	sld [smem:$0x3FAE];
	_ =	sdelay $0x3  }
0x33: {  	p0 =	seq.s32 s10, $0x1;
	s10 =	sld [smem:$0x3FB0];
	_ =	sdelay $0x3  }
0x34: {  	[smem:$0x3FB0] =	sst s10  }
0x35: {  	s10 =	sld [smem:$0x3FAF];
	_ =	sdelay $0x3  }
0x36: {  	p1 =	seq.s32 s10, $0x1;
	s10 =	sld [smem:$0x3FB0];
	_ =	sdelay $0x3  }
0x37: {  	[smem:$0x3FB0] =	sst s10  }
0x38: {  	s10 =	sld [smem:$0x3FB1]  }
0x39: {  	_ = 	snop;
	(pc) =	sbr.ind lr, $3  }
0x3a: {  	_ = 	snop  }
0x3b: {  	_ = 	snop  }
0x3c: {  	p2 =	seq.s32 s10, $0x1;
	s10 =	sld [smem:$0x3FB0]  }
0x3d: {  	_ =	shalt  }
0x3e: {  	_ =	shalt  }
0x3f: {  	_ =	shalt  }
0x40: {  	_ =	shalt  }
0x41: {  	_ =	shalt  }
0x42: {  	_ =	shalt  }
0x43: {  	_ =	shalt  }
0x44: {  	_ =	shalt  }
0x45: {  	_ =	shalt  }
0x46: {  	_ =	shalt  }
0x47: {  	_ =	shalt  }
0x48: {  	_ =	shalt  }
0x49: {  	_ =	shalt  }
0x4a: {  	_ =	shalt  }
0x4b: {  	_ =	shalt  }
0x4c: {  	_ =	shalt  }
0x4d: {  	_ =	shalt  }
0x4e: {  	_ =	shalt  }
0x4f: {  	_ =	shalt  }
0x50: {  	_ =	shalt  }
0x51: {  	_ =	shalt  }
0x52: {  	_ =	shalt  }
0x53: {  	_ =	shalt  }
0x54: {  	_ =	shalt  }
0x55: {  	_ =	shalt  }
0x56: {  	_ =	shalt  }
0x57: {  	_ =	shalt  }
0x58: {  	_ =	shalt  }
0x59: {  	_ =	shalt  }
0x5a: {  	_ =	shalt  }
0x5b: {  	_ =	shalt  }
0x5c: {  	_ =	shalt  }
0x5d: {  	_ =	shalt  }
0x5e: {  	_ =	shalt  }
0x5f: {  	_ =	shalt  }
0x60: {  	_ =	shalt  }
0x61: {  	_ =	shalt  }
0x62: {  	_ =	shalt  }
0x63: {  	_ =	shalt  }
0x64: {  	_ =	shalt  }
0x65: {  	_ =	shalt  }
0x66: {  	_ =	shalt  }
0x67: {  	_ =	shalt  }
0x68: {  	_ =	shalt  }
0x69: {  	_ =	shalt  }
0x6a: {  	_ =	shalt  }
0x6b: {  	_ =	shalt  }
0x6c: {  	_ =	shalt  }
0x6d: {  	_ =	shalt  }
0x6e: {  	_ =	shalt  }
0x6f: {  	_ =	shalt  }
0x70: {  	_ =	shalt  }
0x71: {  	_ =	shalt  }
0x72: {  	_ =	shalt  }
0x73: {  	_ =	shalt  }
0x74: {  	_ =	shalt  }
0x75: {  	_ =	shalt  }
0x76: {  	_ =	shalt  }
0x77: {  	_ =	shalt  }
0x78: {  	_ =	shalt  }
0x79: {  	_ =	shalt  }
0x7a: {  	_ =	shalt  }
0x7b: {  	_ =	shalt  }
0x7c: {  	_ =	shalt  }
0x7d: {  	_ =	shalt  }
0x7e: {  	_ =	shalt  }
0x7f: {  	_ =	shalt  }
0x80: {  	_ =	shalt  }
0x81: {  	_ =	shalt  }
0x82: {  	_ =	shalt  }
0x83: {  	_ =	shalt  }
0x84: {  	_ =	shalt  }
0x85: {  	_ =	shalt  }
0x86: {  	_ =	shalt  }
0x87: {  	_ =	shalt  }
.Lfunc_end0:
.L_simem_size_0:
called_computation_lowered:
.L_overlay_start_0:
0x88: {  	s2 =	sld [smem:$0x3FD9]  }
0x89: {  	s3 =	sld [smem:$0x3FFE];
	_ =	sdelay $0x1  }
0x8a: {  	s1 =	srdreg.scid  }
0x8b: {  	s0 =	sand.u32 $0x1, s1  }
0x8c: {  	s17 =	sshll.u32 s0, $0xA;
	s2 =	sadd.s32 s3, s2  }
0x8d: {  	s2 =	sadd.s32 s2, s17  }
0x8e: {  	[smem:$0x3FBC] =	sst s2  }
0x8f: {  	_ = 	snop  }
0x90: {  	s2 =	sld [smem:$0x3FD0];
	(tm) =	ssettm $0x1  }
0x91: {  	s18 =	sld [smem:$0x3FFB];
	_ =	sdelay $0x3  }
0x92: {  	_ =	strace s18  }
0x93: {  	s3 =	sld [smem:$0x3FFC];
	_ =	sdelay $0x3  }
0x94: {  	_ =	strace s3  }
0x95: {  	s3 =	sld [smem:$0x3FFD];
	_ =	sdelay $0x3  }
0x96: {  	_ =	strace s3  }
0x97: {  	_ =	strace $0x8FFFFFFF  }
0x98: {  	s19 =	sld [smem:$0x3FDB];
	_ =	sdelay $0x1  }
0x99: {  	s4 =	simm.s32 $_scs_section_size  }
0x9a: {  	s5 =	simm.s32 $_size__tile_overlayer_lowered;
	s6 =	simm.s32 $_tile_overlayer_lowered  }
0x9b: {  	s22 =	simm.s32 $0x1BFF;
	s21 =	sshll.u32 s6, $0x1;
	s3 =	sadd.s32 s4, s19  }
0x9c: {  	s7 =	simm.s32 $0x0;
	s20 =	sshll.u32 s5, $0x1;
	s5 =	sadd.s32 s21, s3  }
0x9d: {  	[timem:s7], [sflag:s22] =	dma.local [hbm:s5], s20  }
0x9e: {  	_ =	swait.ge [sflag:s22], s20  }
0x9f: {  	s4 =	ssub.s32 $0x0, s20;
	[sflag:s22] =	ssyncset.done $0x0  }
0xa0: {  	[sflag:s22] =	ssyncadd.s32 s4;
	_ =	sdelay $0x1  }
0xa1: {  	s23 =	simm.s32 $0x1B8B  }
0xa2: {  	_ =	swait.ge [sflag:s23], $0x1  }
0xa3: {  	[sflag:s23] =	ssyncset.done $0x0  }
0xa4: {  	s25 =	simm.s32 $0x1B8E;
	s24 =	sld [smem:$0x3FFE];
	[sflag:s23] =	ssyncadd.s32 $0xFFFFFFFF  }
0xa5: {  	s26 =	simm.s32 $execute0_lowered;
	[smem:$0x3FD2] =	sst s25  }
0xa6: {  	s5 =	sshll.u32 s26, $0x1;
	_ =	strace $0x80000046;
	[dreg:$0x1] =	wrdreg $0xFFFFFFFF  }
0xa7: {  	s28 =	simm.s32 $_size_execute0_lowered;
	s3 =	sadd.s32 s3, s5;
	[dreg:$0x0] =	wrdreg $0x0  }
0xa8: {  	s5 =	sshll.u32 s28, $0x1;
	[dreg:$0x2] =	wrdreg s3  }
0xa9: {  	[dreg:$0x3] =	wrdreg s5  }
0xaa: {  	[dreg:$0x4] =	wrdreg $0xC0  }
0xab: {  	_ =	task [dreg:s7], $0x5FFFF  }
0xac: {  	[dreg:$0x1] =	wrdreg $0xFFFFFFFF  }
0xad: {  	[dreg:$0x0] =	wrdreg $0x60  }
0xae: {  	[dreg:$0x2] =	wrdreg s2  }
0xaf: {  	[dreg:$0x3] =	wrdreg s24  }
0xb0: {  	[dreg:$0x4] =	wrdreg $0x9  }
0xb1: {  	_ =	task.clear_ibuf [dreg:s7], $0x5FFFF;
	_ =	strace $0x90000046  }
0xb2: {  	s29 =	simm.s32 $0x9;
	_ =	strace $0x80000048  }
0xb3: {  	_ =	swait.ge [sflag:s29], $0x1  }
0xb4: {  	[sflag:s29] =	ssyncadd.s32 $0xFFFFFFFF  }
0xb5: {  	_ =	strace $0x90000048  }
0xb6: {  	_ =	sfence  }
0xb7: {  	s30 =	sld [smem:$0x0];
	_ =	sdelay $0x2  }
0xb8: {  	s31 =	sshll.u32 s1, $0xD;
	s1 =	sshrl.u32 s1, $0x2  }
0xb9: {  	s3 =	sand.u32 $0x4000, s31;
	s1 =	sadd.s32 s1, s30  }
0xba: {  	s0 =	sor.u32 s3, s0;
	s1 =	sshll.u32 s1, $0x11  }
0xbb: {  	s0 =	sor.u32 s1, s0  }
0xbc: {  	s0 =	sadd.s32 $0x8F2B, s0  }
0xbd: {  	[sflag:s0] =	ssyncadd.remote.s32 $0x1  }
0xbe: {  	_ =	sfence.sel $0xFFFF  }
0xbf: {  	[dreg:$0x0] =	wrdreg $0xFFFFFFFF;
	(pc) =	sbr.abs _section_cstart, $3  }
0xc0: {  	[dreg:$0x1] =	wrdreg $0xFFFFFFFF  }
0xc1: {  	_ =	task.clear_ibuf [dreg:s7], $0x2FFFF;
	_ =	strace $0x9FFFFFFF  }
0xc2: {  	(tm) =	ssettm $0x7FFFFFFF  }
0xc3: {  	_ =	shalt  }
tec
execute0_lowered:
.L_overlay_start_1:
0x0: {  	(tag) =	ssettag $0x1  }
0x1: {  	s2 =	rddreg [dreg:$0x0];
	s1 =	srdreg.scid  }
0x2: {  	s0 =	stileid.u32;
	s4 =	rddreg [dreg:$0x1]  }
0x3: {  	s8 =	simm.s32 $0x1;
	s9 =	simm.s32 $0x7800;
	s10 =	simm.s32 $0x8C00  }
0x4: {  	s11 =	simm.s32 $0xA000;
	s5 =	sand.u32 $0x1, s1;
	s3 =	sshll.u32 s0, $0x1  }
0x5: {  	s1 =	rddreg [dreg:$0x2];
	s6 =	sor.u32 s5, s3;
	s5 =	ssub.s32 $0x2, s5  }
0x6: {  	s3 =	simm.s32 $0x0;
	s6 =	smul.u32 $0x280, s6;
	s7 =	sshrl.u32 s5, $0x1  }
0x7: {  	s12 =	simm.s32 $0x0;
	[smem:$0x7FF] =	sst s3;
	s7 =	ssub.s32 s5, s7  }
0x8: {  	_ =	strace $0x80000047;
	s6 =	sadd.s32 s6, s4;
	s7 =	smax.u32 s7, $0x1  }
0x9: {  	s4 =	sadd.s32 $0x2600, s6;
	s5 =	sadd.s32 $0x7600, s6;
	s6 =	sadd.s32 $0xC600, s6  }
.LBB2_1:
0xa: {  	[tilespmem:s3], [sflag:$0x1] =	stream.linear.gather [hbm4b:s2+s3], $0x7800, $0x38;
	[tilespmem:$0xB400] =	vst v63  }
0xb: {  	_ =	swait.ge [sflag:s8], $0x7800  }
0xc: {  	[sflag:s8] =	ssyncset.done $0x0  }
0xd: {  	[sflag:s8] =	ssyncadd.s32 $0xFFFF8800  }
0xe: {  	[tilespmem:s9], [sflag:$0x1] =	stream.linear.gather [hbm4b:s4+s3], $0x1400, $0x38;
	[tilespmem:$0xB400] =	vst v63  }
0xf: {  	_ =	swait.ge [sflag:s8], $0x1400  }
0x10: {  	[sflag:s8] =	ssyncset.done $0x0  }
0x11: {  	[sflag:s8] =	ssyncadd.s32 $0xFFFFEC00  }
0x12: {  	[tilespmem:s10], [sflag:$0x1] =	stream.linear.gather [hbm4b:s5+s3], $0x1400, $0x38;
	[tilespmem:$0xB400] =	vst v63  }
0x13: {  	_ =	swait.ge [sflag:s8], $0x1400  }
0x14: {  	[sflag:s8] =	ssyncset.done $0x0  }
0x15: {  	s13 =	simm.s32 $0x0;
	[sflag:s8] =	ssyncadd.s32 $0xFFFFEC00  }
0x16: {  	v0 =	vld [tilespmem:s13+$0x7800]  }
0x17: {  	v1 =	vld [tilespmem:s13+$0x8C00];
	_ =	sdelay $0x4  }
0x18: {  	v2 =	vadd.s32 $0x2800, v1  }
0x19: {  	v3 =	vadd.s32 $0x2800, v0  }
0x1a: {  	v4 =	vadd.s32 $0x5000, v1  }
0x1b: {  	v5 =	vld.idx.msk [tilespmem:v0+s3+$0x0], $0xffff;
	v0 =	vadd.s32 $0x5000, v0  }
0x1c: {  	v1 =	vld.idx.msk [tilespmem:v1+s3+$0x0], $0xffff  }
0x1d: {  	v6 =	vld.idx.msk [tilespmem:v2+s3+$0x0], $0xffff  }
0x1e: {  	v7 =	vld.idx.msk [tilespmem:v3+s3+$0x0], $0xffff  }
0x1f: {  	v2 =	vld.idx.msk [tilespmem:v4+s3+$0x0], $0xffff  }
0x20: {  	v3 =	vld.idx.msk [tilespmem:v0+s3+$0x0], $0xffff;
	_ =	sdelay $0x1  }
0x21: {  	s14 =	simm.s32 $0x10  }
0x22: {  	v0 =	vld [tilespmem:s14+$0x7800];
	v4 =	vsub.f32 v1, v5;
	v5 =	vsub.f32 v6, v7  }
0x23: {  	s15 =	simm.s32 $0x80;
	v1 =	vld [tilespmem:s14+$0x8C00]  }
.LBB2_2:
0x24: {  	p0 =	sne.s32 s15, $0x4FC0;
	v4 =	vmul.f32 v4, v4;
	v5 =	vmul.f32 v5, v5;
	v2 =	vsub.f32 v2, v3;
	_ =	sdelay $0x1  }
0x25: {  	v3 =	vadd.f32 v5, v4;
	v2 =	vmul.f32 v2, v2;
	_ =	sdelay $0x1  }
0x26: {  	v4 =	vadd.s32 $0x2800, v1;
	v2 =	vadd.f32 v2, v3  }
0x27: {  	v3 =	vadd.s32 $0x2800, v0  }
0x28: {  	v5 =	vadd.s32 $0x5000, v1;
	[tilespmem:s13+$0xA000] =	vst v2;
	s13 =	smov.u32 s14  }
0x29: {  	v6 =	vld.idx.msk [tilespmem:v0+s3+$0x0], $0xffff;
	v0 =	vadd.s32 $0x5000, v0  }
0x2a: {  	v1 =	vld.idx.msk [tilespmem:v1+s3+$0x0], $0xffff  }
0x2b: {  	v7 =	vld.idx.msk [tilespmem:v4+s3+$0x0], $0xffff  }
0x2c: {  	v8 =	vld.idx.msk [tilespmem:v3+s3+$0x0], $0xffff  }
0x2d: {  	v2 =	vld.idx.msk [tilespmem:v5+s3+$0x0], $0xffff  }
0x2e: {  	v3 =	vld.idx.msk [tilespmem:v0+s3+$0x0], $0xffff  }
.Ltmp0:
0x2f: {  	(pc) =	sbr.rel @p0 .LBB2_2-.Ltmp0, $4  }
0x30: {  	_ = 	snop  }
0x31: {  	s14 =	sshra.s32 s15, $0x2  }
0x32: {  	v4 =	vsub.f32 v1, v6;
	v5 =	vsub.f32 v7, v8;
	v0 =	vld [tilespmem:s14+$0x7800]  }
0x33: {  	s15 =	sadd.s32 $0x40, s15;
	v1 =	vld [tilespmem:s14+$0x8C00]  }
0x34: {  	v4 =	vmul.f32 v4, v4;
	v5 =	vmul.f32 v5, v5;
	v2 =	vsub.f32 v2, v3;
	_ =	sdelay $0x1  }
0x35: {  	v57 =	vadd.f32 v5, v4;
	v2 =	vmul.f32 v2, v2;
	_ =	sdelay $0x1  }
0x36: {  	v59 =	vadd.s32 $0x2800, v0;
	v2 =	vadd.f32 v2, v57  }
0x37: {  	v58 =	vadd.s32 $0x2800, v1  }
0x38: {  	v61 =	vadd.s32 $0x5000, v0;
	[tilespmem:s13+$0xA000] =	vst v2  }
0x39: {  	v60 =	vadd.s32 $0x5000, v1;
	v2 =	vld.idx.msk [tilespmem:v0+s3+$0x0], $0xffff  }
0x3a: {  	v62 =	vld.idx.msk [tilespmem:v1+s3+$0x0], $0xffff  }
0x3b: {  	v3 =	vld.idx.msk [tilespmem:v59+s3+$0x0], $0xffff  }
0x3c: {  	v4 =	vld.idx.msk [tilespmem:v58+s3+$0x0], $0xffff  }
0x3d: {  	v0 =	vld.idx.msk [tilespmem:v61+s3+$0x0], $0xffff  }
0x3e: {  	v5 =	vld.idx.msk [tilespmem:v60+s3+$0x0], $0xffff;
	_ =	sdelay $0x2  }
0x3f: {  	v1 =	vsub.f32 v62, v2;
	v63 =	vsub.f32 v4, v3;
	_ =	sdelay $0x1  }
0x40: {  	v1 =	vmul.f32 v1, v1;
	v0 =	vsub.f32 v5, v0;
	v2 =	vmul.f32 v63, v63;
	_ =	sdelay $0x1  }
0x41: {  	v0 =	vmul.f32 v0, v0;
	v1 =	vadd.f32 v2, v1;
	_ =	sdelay $0x1  }
0x42: {  	s12 =	sadd.s32 $0x1, s12;
	v0 =	vadd.f32 v0, v1  }
0x43: {  	p0 =	sne.s32 s12, s7  }
.Ltmp1:
0x44: {  	[tilespmem:s14+$0xA000] =	vst v0;
	(pc) =	sbr.rel @p0 .LBB2_1-.Ltmp1, $4  }
0x45: {  	[hbm4b:s6+s3] =	stream.linear.scatter [tilespmem:s11], [sflag:$0x1], $0x1400, $0x38;
	[tilespmem:$0xB400] =	vst v63  }
0x46: {  	_ =	swait.ge [sflag:s8], $0x1400  }
0x47: {  	[sflag:s8] =	ssyncset.done $0x0  }
0x48: {  	[sflag:s8] =	ssyncadd.s32 $0xFFFFEC00  }
0x49: {  	_ =	sfence.sel $0x180000  }
0x4a: {  	[bflag:$0x0] =	sbarrier.arrive $0xFFFF  }
0x4b: {  	p0 =	sne.s32 s0, $0x0;
	_ =	strace $0x90000047  }
0x4c: {  	s0 =	sadd.s32 @!p0 $0x100000, s1;
	[bflag:$0x2] =	sbarrier.arrive $0xFFFF  }
0x4d: {  	[sflag:s0] =	ssyncadd.tile.s32 @!p0 $0x1;
	_ =	shalt  }
.Lfunc_end2:
_tile_overlayer_lowered:
.L_overlay_start_2:
0x4e: {  	(tag) =	ssettag $0x2  }
0x4f: {  	s0 =	rddreg [dreg:$0x0];
	s2 =	stileid.u32  }
0x50: {  	s1 =	rddreg [dreg:$0x1];
	p0 =	sne.s32 s2, $0x0  }
0x51: {  	s3 =	rddreg [dreg:$0x2];
	[bflag:$0x3] =	sbarrier.arrive $0xFFFF;
	s2 =	simm.s32 @!p0 $0x1C01  }
0x52: {  	[timem:s3], [sflag:s2] =	dma.local @!p0 [hbm:s0], s1  }
0x53: {  	s0 =	simm.s32 @!p0 $0x1  }
0x54: {  	_ =	swait.ge @!p0 [sflag:s0], s1  }
0x55: {  	s1 =	ssub.s32 @!p0 $0x0, s1;
	[sflag:s0] =	ssyncset.done @!p0 $0x0  }
0x56: {  	[sflag:s0] =	ssyncadd.s32 @!p0 s1  }
0x57: {  	[bflag:$0x3] =	sbarrier.arrive $0xFFFF  }
0x58: {  	_ =	shalt  }

// kernel: kernel.13.cloned.1.call-start
scs
__scs_entry_jumppad:
0x0: {  	(pc) =	sbr.rel $0x88, $3  }
0x1: {  	(tag) =	ssettag $0x0;
	lr =	simm.s32 $0x1  }
0x2: {  	[smem:$0x3F95] =	sst lr;
	_ =	strace $0xD0000000  }
0x3: {  	_ = 	snop  }
0x4: {  	_ = 	snop  }
0x5: {  	_ = 	snop  }
0x6: {  	_ = 	snop  }
0x7: {  	_ = 	snop  }
__scs_overlays_trampoline_lowered:
0x8: {  	[smem:$0x3FA4] =	sst s0  }
0x9: {  	[smem:$0x3FA5] =	sst s1  }
0xa: {  	[smem:$0x3FA6] =	sst s2  }
0xb: {  	[smem:$0x3FA7] =	sst s3  }
0xc: {  	[smem:$0x3FA8] =	sst s4  }
0xd: {  	[smem:$0x3FA9] =	sst s5  }
0xe: {  	[smem:$0x3FAA] =	sst s6  }
0xf: {  	[smem:$0x3FAB] =	sst s7  }
0x10: {  	[smem:$0x3FAC] =	sst s8  }
0x11: {  	[smem:$0x3FAD] =	sst s9;
	s0 =	simm.s32 @!p0 $0x0  }
0x12: {  	s1 =	sld [smem:$0x3F93];
	s0 =	simm.s32 @p0 $0x1  }
0x13: {  	[smem:$0x3FAE] =	sst s0;
	s0 =	simm.s32 @!p1 $0x0  }
0x14: {  	s2 =	sld [smem:$0x3F92];
	s0 =	simm.s32 @p1 $0x1  }
0x15: {  	[smem:$0x3FAF] =	sst s0;
	s0 =	simm.s32 @!p2 $0x0  }
0x16: {  	s3 =	sld [smem:$0x3FDB];
	s0 =	simm.s32 @p2 $0x1  }
0x17: {  	s4 =	simm.s32 $0x1BF5;
	[smem:$0x3FB1] =	sst s0  }
0x18: {  	s0 =	sld [smem:$0x3F94];
	_ =	swait.ge [sflag:s4], $0x0  }
0x19: {  	s7 =	sld [smem:$0x3F95]  }
0x1a: {  	s8 =	sadd.s32 $0xFFFFE003, lr  }
0x1b: {  	s9 =	sadd.s32 $0xFFFFFEF7, lr;
	s5 =	simm.s32 $0xFFFFFFFF;
	p2 =	slt.u32 s8, $0xFFFFF086  }
0x1c: {  	p1 =	slt.u32 s9, $0xF7A;
	s5 =	simm.s32 @!p2 $0x0  }
0x1d: {  	s5 =	simm.s32 @p1 $0x1;
	p0 =	seq.s32 s7, s2  }
0x1e: {  	s7 =	smul.u32 @!p0 $0xF7A, s2;
	p2 =	seq.s32 @!p0 s5, $0x0  }
0x1f: {  	s9 =	smul.u32 $0xF7A, s1;
	s8 =	simm.s32 @!p0 $0x1BF5;
	p2 =	por !p2, p0  }
0x20: {  	[sflag:s8] =	ssyncset.s32 @!p0 $0xFFFFF086;
	s6 =	sadd.s32 @!p0 s3, s7;
	s7 =	simm.s32 @!p0 $0x108  }
0x21: {  	s3 =	sadd.s32 s3, s9;
	s6 =	sadd.s32 @!p0 $0x88, s6;
	s7 =	simm.s32 @p2 $0x1082  }
0x22: {  	[simem:s7], [sflag:s8] =	dma.local @!p0 [hbm:s6], $0xF7A  }
0x23: {  	s9 =	sor.u32 $0xD0000000, s2;
	s6 =	simm.s32 $0x108;
	_ =	swait.ge @!p0 [sflag:s8], $0x0  }
0x24: {  	s3 =	sadd.s32 $0x88, s3;
	s6 =	simm.s32 @!p1 $0x1082;
	[sflag:s4] =	ssyncset.s32 $0xFFFFF086  }
0x25: {  	[simem:s6], [sflag:s4] =	dma.local [hbm:s3], $0xF7A  }
0x26: {  	[smem:$0x3F95] =	sst s1;
	(tag) =	ssettag s2;
	_ =	strace s9  }
0x27: {  	s1 =	sld [smem:$0x3FA5]  }
0x28: {  	s2 =	sld [smem:$0x3FA6]  }
0x29: {  	s4 =	sld [smem:$0x3FA8]  }
0x2a: {  	p0 =	seq.s32 s5, $0x0;
	s5 =	sld [smem:$0x3FA9]  }
0x2b: {  	s6 =	sld [smem:$0x3FAA]  }
0x2c: {  	s7 =	sld [smem:$0x3FAB]  }
0x2d: {  	s3 =	simm.s32 $0x108;
	s8 =	sld [smem:$0x3FAC]  }
0x2e: {  	s3 =	simm.s32 @!p0 $0x1082;
	s9 =	sld [smem:$0x3FAD]  }
0x2f: {  	lr =	sadd.s32 s0, s3;
	s0 =	sld [smem:$0x3FA4]  }
0x30: {  	s3 =	sld [smem:$0x3FA7]  }
0x31: {  	[smem:$0x3FB0] =	sst s10  }
0x32: {  	s10 =	sld [smem:$0x3FAE];
	_ =	sdelay $0x3  }
0x33: {  	p0 =	seq.s32 s10, $0x1;
	s10 =	sld [smem:$0x3FB0];
	_ =	sdelay $0x3  }
0x34: {  	[smem:$0x3FB0] =	sst s10  }
0x35: {  	s10 =	sld [smem:$0x3FAF];
	_ =	sdelay $0x3  }
0x36: {  	p1 =	seq.s32 s10, $0x1;
	s10 =	sld [smem:$0x3FB0];
	_ =	sdelay $0x3  }
0x37: {  	[smem:$0x3FB0] =	sst s10  }
0x38: {  	s10 =	sld [smem:$0x3FB1]  }
0x39: {  	_ = 	snop;
	(pc) =	sbr.ind lr, $3  }
0x3a: {  	_ = 	snop  }
0x3b: {  	_ = 	snop  }
0x3c: {  	p2 =	seq.s32 s10, $0x1;
	s10 =	sld [smem:$0x3FB0]  }
0x3d: {  	_ =	shalt  }
0x3e: {  	_ =	shalt  }
0x3f: {  	_ =	shalt  }
0x40: {  	_ =	shalt  }
0x41: {  	_ =	shalt  }
0x42: {  	_ =	shalt  }
0x43: {  	_ =	shalt  }
0x44: {  	_ =	shalt  }
0x45: {  	_ =	shalt  }
0x46: {  	_ =	shalt  }
0x47: {  	_ =	shalt  }
0x48: {  	_ =	shalt  }
0x49: {  	_ =	shalt  }
0x4a: {  	_ =	shalt  }
0x4b: {  	_ =	shalt  }
0x4c: {  	_ =	shalt  }
0x4d: {  	_ =	shalt  }
0x4e: {  	_ =	shalt  }
0x4f: {  	_ =	shalt  }
0x50: {  	_ =	shalt  }
0x51: {  	_ =	shalt  }
0x52: {  	_ =	shalt  }
0x53: {  	_ =	shalt  }
0x54: {  	_ =	shalt  }
0x55: {  	_ =	shalt  }
0x56: {  	_ =	shalt  }
0x57: {  	_ =	shalt  }
0x58: {  	_ =	shalt  }
0x59: {  	_ =	shalt  }
0x5a: {  	_ =	shalt  }
0x5b: {  	_ =	shalt  }
0x5c: {  	_ =	shalt  }
0x5d: {  	_ =	shalt  }
0x5e: {  	_ =	shalt  }
0x5f: {  	_ =	shalt  }
0x60: {  	_ =	shalt  }
0x61: {  	_ =	shalt  }
0x62: {  	_ =	shalt  }
0x63: {  	_ =	shalt  }
0x64: {  	_ =	shalt  }
0x65: {  	_ =	shalt  }
0x66: {  	_ =	shalt  }
0x67: {  	_ =	shalt  }
0x68: {  	_ =	shalt  }
0x69: {  	_ =	shalt  }
0x6a: {  	_ =	shalt  }
0x6b: {  	_ =	shalt  }
0x6c: {  	_ =	shalt  }
0x6d: {  	_ =	shalt  }
0x6e: {  	_ =	shalt  }
0x6f: {  	_ =	shalt  }
0x70: {  	_ =	shalt  }
0x71: {  	_ =	shalt  }
0x72: {  	_ =	shalt  }
0x73: {  	_ =	shalt  }
0x74: {  	_ =	shalt  }
0x75: {  	_ =	shalt  }
0x76: {  	_ =	shalt  }
0x77: {  	_ =	shalt  }
0x78: {  	_ =	shalt  }
0x79: {  	_ =	shalt  }
0x7a: {  	_ =	shalt  }
0x7b: {  	_ =	shalt  }
0x7c: {  	_ =	shalt  }
0x7d: {  	_ =	shalt  }
0x7e: {  	_ =	shalt  }
0x7f: {  	_ =	shalt  }
0x80: {  	_ =	shalt  }
0x81: {  	_ =	shalt  }
0x82: {  	_ =	shalt  }
0x83: {  	_ =	shalt  }
0x84: {  	_ =	shalt  }
0x85: {  	_ =	shalt  }
0x86: {  	_ =	shalt  }
0x87: {  	_ =	shalt  }
.Lfunc_end0:
.L_simem_size_0:
called_computation.1_lowered:
.L_overlay_start_0:
0x88: {  	s2 =	sld [smem:$0x3FD9]  }
0x89: {  	s3 =	sld [smem:$0x3FFE];
	_ =	sdelay $0x1  }
0x8a: {  	s1 =	srdreg.scid  }
0x8b: {  	s0 =	sand.u32 $0x1, s1  }
0x8c: {  	s17 =	sshll.u32 s0, $0xA;
	s2 =	sadd.s32 s3, s2  }
0x8d: {  	s2 =	sadd.s32 s2, s17  }
0x8e: {  	[smem:$0x3FBC] =	sst s2  }
0x8f: {  	_ = 	snop  }
0x90: {  	s2 =	sld [smem:$0x3FC8];
	(tm) =	ssettm $0x1  }
0x91: {  	s18 =	sld [smem:$0x3FFB];
	_ =	sdelay $0x3  }
0x92: {  	_ =	strace s18  }
0x93: {  	s3 =	sld [smem:$0x3FFC];
	_ =	sdelay $0x3  }
0x94: {  	_ =	strace s3  }
0x95: {  	s3 =	sld [smem:$0x3FFD];
	_ =	sdelay $0x3  }
0x96: {  	_ =	strace s3  }
0x97: {  	_ =	strace $0x8FFFFFFF  }
0x98: {  	s19 =	sld [smem:$0x3FDB];
	_ =	sdelay $0x1  }
0x99: {  	s4 =	simm.s32 $_scs_section_size  }
0x9a: {  	s5 =	simm.s32 $_size__tile_overlayer_lowered;
	s6 =	simm.s32 $_tile_overlayer_lowered  }
0x9b: {  	s22 =	simm.s32 $0x1BFF;
	s21 =	sshll.u32 s6, $0x1;
	s3 =	sadd.s32 s4, s19  }
0x9c: {  	s7 =	simm.s32 $0x0;
	s20 =	sshll.u32 s5, $0x1;
	s5 =	sadd.s32 s21, s3  }
0x9d: {  	[timem:s7], [sflag:s22] =	dma.local [hbm:s5], s20  }
0x9e: {  	_ =	swait.ge [sflag:s22], s20  }
0x9f: {  	s4 =	ssub.s32 $0x0, s20;
	[sflag:s22] =	ssyncset.done $0x0  }
0xa0: {  	[sflag:s22] =	ssyncadd.s32 s4;
	_ =	sdelay $0x1  }
0xa1: {  	s23 =	simm.s32 $0x1B8B  }
0xa2: {  	_ =	swait.ge [sflag:s23], $0x1  }
0xa3: {  	[sflag:s23] =	ssyncset.done $0x0  }
0xa4: {  	s25 =	simm.s32 $0x1B8E;
	s24 =	sld [smem:$0x3FFE];
	[sflag:s23] =	ssyncadd.s32 $0xFFFFFFFF  }
0xa5: {  	s26 =	simm.s32 $execute0_lowered;
	[smem:$0x3FD2] =	sst s25  }
0xa6: {  	s5 =	sshll.u32 s26, $0x1;
	_ =	strace $0x80000049;
	[dreg:$0x1] =	wrdreg $0xFFFFFFFF  }
0xa7: {  	s28 =	simm.s32 $_size_execute0_lowered;
	s3 =	sadd.s32 s3, s5;
	[dreg:$0x0] =	wrdreg $0x0  }
0xa8: {  	s5 =	sshll.u32 s28, $0x1;
	[dreg:$0x2] =	wrdreg s3  }
0xa9: {  	[dreg:$0x3] =	wrdreg s5  }
0xaa: {  	[dreg:$0x4] =	wrdreg $0xC0  }
0xab: {  	_ =	task [dreg:s7], $0x5FFFF  }
0xac: {  	[dreg:$0x1] =	wrdreg $0xFFFFFFFF  }
0xad: {  	[dreg:$0x0] =	wrdreg $0x60  }
0xae: {  	[dreg:$0x2] =	wrdreg s2  }
0xaf: {  	[dreg:$0x3] =	wrdreg s24  }
0xb0: {  	[dreg:$0x4] =	wrdreg $0x89000  }
0xb1: {  	[dreg:$0x5] =	wrdreg $0x9  }
0xb2: {  	_ =	task.clear_ibuf [dreg:s7], $0x6FFFF;
	_ =	strace $0x90000049  }
0xb3: {  	s29 =	simm.s32 $0x9;
	_ =	strace $0x8000004B  }
0xb4: {  	_ =	swait.ge [sflag:s29], $0x1  }
0xb5: {  	[sflag:s29] =	ssyncadd.s32 $0xFFFFFFFF  }
0xb6: {  	_ =	strace $0x9000004B  }
0xb7: {  	_ =	sfence  }
0xb8: {  	s30 =	sld [smem:$0x0];
	_ =	sdelay $0x2  }
0xb9: {  	s31 =	sshll.u32 s1, $0xD;
	s1 =	sshrl.u32 s1, $0x2  }
0xba: {  	s3 =	sand.u32 $0x4000, s31;
	s1 =	sadd.s32 s1, s30  }
0xbb: {  	s0 =	sor.u32 s3, s0;
	s1 =	sshll.u32 s1, $0x11  }
0xbc: {  	s0 =	sor.u32 s1, s0  }
0xbd: {  	s0 =	sadd.s32 $0x8F2B, s0  }
0xbe: {  	[sflag:s0] =	ssyncadd.remote.s32 $0x1  }
0xbf: {  	_ =	sfence.sel $0xFFFF  }
0xc0: {  	[dreg:$0x0] =	wrdreg $0xFFFFFFFF;
	(pc) =	sbr.abs _section_cstart, $3  }
0xc1: {  	[dreg:$0x1] =	wrdreg $0xFFFFFFFF  }
0xc2: {  	_ =	task.clear_ibuf [dreg:s7], $0x2FFFF;
	_ =	strace $0x9FFFFFFF  }
0xc3: {  	(tm) =	ssettm $0x7FFFFFFF  }
tec
execute0_lowered:
.L_overlay_start_1:
0x0: {  	(tag) =	ssettag $0x1  }
0x1: {  	s1 =	rddreg [dreg:$0x0]  }
0x2: {  	s8 =	rddreg [dreg:$0x1]  }
0x3: {  	s2 =	rddreg [dreg:$0x2]  }
0x4: {  	s3 =	srdreg.scid;
	s0 =	rddreg [dreg:$0x3];
	s4 =	simm.s32 $0x0  }
0x5: {  	s14 =	simm.s32 $0x80;
	s15 =	simm.s32 $0x100;
	s16 =	simm.s32 $0x4100  }
0x6: {  	s17 =	simm.s32 $0x1;
	s9 =	sand.u32 $0x1, s3;
	s3 =	stileid.u32  }
0x7: {  	s18 =	simm.s32 $0x0;
	[smem:$0x7FF] =	sst s4;
	s7 =	smul.u32 $0x140000, s9  }
0x8: {  	s5 =	sadd.s32 $0xC600, s8;
	s6 =	sadd.s32 $0x2600, s8;
	s10 =	smul.u32 $0x14000, s3  }
0x9: {  	_ =	strace $0x8000004A;
	s30 =	ssub.s32 $0x2, s9;
	s12 =	sshll.u32 s3, $0x1  }
0xa: {  	s11 =	smul.u32 $0x50000, s3;
	s13 =	sshrl.u32 s30, $0x1;
	s9 =	sor.u32 s9, s12  }
0xb: {  	s12 =	simm.s32 $0x8100;
	s10 =	sadd.s32 s10, s7;
	s7 =	sadd.s32 $0x7600, s8  }
0xc: {  	s11 =	sshrl.u32 s11, $0x2;
	s31 =	ssub.s32 s30, s13;
	s10 =	sshrl.u32 s10, $0x3  }
0xd: {  	s13 =	simm.s32 $0x2;
	s10 =	sadd.s32 s10, s8;
	s8 =	smul.u32 $0x1400, s9  }
0xe: {  	v0 =	vimm.f32 $0.0e+00;
	s9 =	sadd.s32 s11, s2;
	s11 =	smax.u32 s31, $0x1;
	s10 =	sadd.s32 $0x28C600, s10  }
.LBB2_1:
0xf: {  	s19 =	simm.s32 $0x0;
	s20 =	simm.s32 $0x200  }
.LBB2_2:
0x10: {  	p0 =	sne.s32 s20, $0x1E00;
	[tilespmem:s19+$0x8170] =	vst v0  }
0x11: {  	[tilespmem:s19+$0x8100] =	vst v0  }
0x12: {  	[tilespmem:s19+$0x8110] =	vst v0  }
.Ltmp0:
0x13: {  	[tilespmem:s19+$0x8120] =	vst v0;
	(pc) =	sbr.rel @p0 .LBB2_2-.Ltmp0, $4  }
0x14: {  	[tilespmem:s19+$0x8130] =	vst v0  }
0x15: {  	[tilespmem:s19+$0x8140] =	vst v0  }
0x16: {  	[tilespmem:s19+$0x8150] =	vst v0  }
0x17: {  	[tilespmem:s19+$0x8160] =	vst v0;
	s19 =	sshra.s32 s20, $0x2;
	s20 =	sadd.s32 $0x200, s20  }
0x18: {  	[tilespmem:s19+$0x8170] =	vst v0  }
0x19: {  	[tilespmem:s19+$0x8100] =	vst v0  }
0x1a: {  	[tilespmem:s19+$0x8110] =	vst v0  }
0x1b: {  	[tilespmem:s19+$0x8120] =	vst v0  }
0x1c: {  	[tilespmem:s19+$0x8130] =	vst v0  }
0x1d: {  	[tilespmem:s19+$0x8140] =	vst v0  }
0x1e: {  	[tilespmem:s19+$0x8150] =	vst v0  }
0x1f: {  	[tilespmem:s19+$0x8160] =	vst v0;
	s31 =	sadd.s32 $0x0, s9  }
0x20: {  	[spmem:s31] =	stream.linear.scatter [tilespmem:s12], [sflag:$0x2], $0x800, $0x38;
	[tilespmem:$0x1C900] =	vst v63  }
0x21: {  	s19 =	simm.s32 $0x2000;
	_ =	swait.ge [sflag:s13], $0x800  }
.LBB2_4:
0x22: {  	s20 =	sshra.s32 s19, $0x2;
	[sflag:s13] =	ssyncset.done $0x0;
	p0 =	sne.s32 s19, $0x4E000  }
.Ltmp1:
0x23: {  	s20 =	sadd.s32 s20, s9;
	[sflag:s13] =	ssyncadd.s32 $0xFFFFF800;
	(pc) =	sbr.rel @p0 .LBB2_4-.Ltmp1, $3  }
0x24: {  	[spmem:s20] =	stream.linear.scatter [tilespmem:s12], [sflag:$0x2], $0x800, $0x38;
	[tilespmem:$0x1C900] =	vst v63  }
0x25: {  	s19 =	sadd.s32 $0x2000, s19;
	_ =	sdelay $0x1  }
0x26: {  	_ =	swait.ge [sflag:s13], $0x800  }
0x27: {  	[sflag:s13] =	ssyncset.done $0x0  }
0x28: {  	[sflag:s13] =	ssyncadd.s32 $0xFFFFF800  }
0x29: {  	s19 =	simm.s32 $0x0;
	[bflag:$0x0] =	sbarrier.arrive $0xFFFF  }
.LBB2_6:
0x2a: {  	s20 =	sshll.u32 s19, $0x7  }
0x2b: {  	s20 =	sadd.s32 s8, s20  }
0x2c: {  	s21 =	sshrl.u32 s20, $0x3  }
0x2d: {  	s22 =	sadd.s32 s6, s21  }
0x2e: {  	[tilespmem:s4], [sflag:$0x2] =	stream.linear.gather [hbm4b:s22+s4], $0x80, $0x38;
	[tilespmem:$0x1C900] =	vst v63  }
0x2f: {  	_ =	swait.ge [sflag:s13], $0x80  }
0x30: {  	[sflag:s13] =	ssyncset.done $0x0  }
0x31: {  	s21 =	sadd.s32 s7, s21;
	[sflag:s13] =	ssyncadd.s32 $0xFFFFFF80  }
0x32: {  	[tilespmem:s14], [sflag:$0x2] =	stream.linear.gather [hbm4b:s21+s4], $0x80, $0x38;
	[tilespmem:$0x1C900] =	vst v63  }
0x33: {  	_ =	swait.ge [sflag:s13], $0x80  }
0x34: {  	[sflag:s13] =	ssyncset.done $0x0  }
0x35: {  	s20 =	sshll.u32 s20, $0x4;
	[sflag:s13] =	ssyncadd.s32 $0xFFFFFF80  }
0x36: {  	[tilespmem:s15], [sflag:$0x1] =	stream.indirect.gather [hbm4b:s1+s14], $0x80, s4, s14, $0xb8;
	[tilespmem:$0x1C900] =	vst v63  }
0x37: {  	s20 =	sadd.s32 s5, s20  }
0x38: {  	[tilespmem:s16], [sflag:$0x2] =	stream.linear.gather [hbm4b:s20+s4], $0x4000, $0x38;
	[tilespmem:$0x1C900] =	vst v63  }
0x39: {  	_ =	swait.ge [sflag:s13], $0x4000  }
0x3a: {  	[sflag:s13] =	ssyncset.done $0x0  }
0x3b: {  	[sflag:s13] =	ssyncadd.s32 $0xFFFFC000  }
0x3c: {  	_ =	swait.ge [sflag:s17], $0x4000  }
0x3d: {  	[sflag:s17] =	ssyncset.done $0x0  }
0x3e: {  	s20 =	simm.s32 $0x200;
	[sflag:s17] =	ssyncadd.s32 $0xFFFFC000  }
0x3f: {  	s21 =	simm.s32 $0x4200;
	v1 =	vld [tilespmem:s20+$0x80]  }
0x40: {  	v2 =	vld [tilespmem:s21+$0x80]  }
0x41: {  	v3 =	vld [tilespmem:s20+$0xFFFFFF80]  }
0x42: {  	v4 =	vld [tilespmem:s21+$0xFFFFFF80]  }
0x43: {  	v5 =	vld [tilespmem:s20+$0x0]  }
0x44: {  	v6 =	vld [tilespmem:s21+$0x0]  }
0x45: {  	v7 =	vld [tilespmem:s20+$0xFFFFFF00];
	v1 =	vmul.f32 v2, v1  }
0x46: {  	v2 =	vld [tilespmem:s21+$0xFFFFFF00]  }
0x47: {  	[tilespmem:s20+$0x80] =	vst v1;
	v1 =	vld [tilespmem:s20+$0x90]  }
0x48: {  	v3 =	vmul.f32 v4, v3;
	v4 =	vld [tilespmem:s21+$0x90]  }
0x49: {  	v8 =	vld [tilespmem:s20+$0xFFFFFF10]  }
0x4a: {  	[tilespmem:s20+$0xFFFFFF80] =	vst v3;
	v3 =	vmul.f32 v6, v5;
	v5 =	vld [tilespmem:s20+$0xFFFFFF90]  }
0x4b: {  	v6 =	vld [tilespmem:s21+$0xFFFFFF90];
	v2 =	vmul.f32 v2, v7  }
0x4c: {  	[tilespmem:s20+$0x0] =	vst v3;
	v3 =	vld [tilespmem:s20+$0x10]  }
0x4d: {  	v7 =	vld [tilespmem:s21+$0x10];
	[tilespmem:s20+$0xFFFFFF00] =	vst v2;
	v1 =	vmul.f32 v4, v1  }
0x4e: {  	v2 =	vld [tilespmem:s21+$0xFFFFFF10]  }
0x4f: {  	[tilespmem:s20+$0x90] =	vst v1;
	v1 =	vld [tilespmem:s20+$0xA0]  }
0x50: {  	v4 =	vmul.f32 v6, v5;
	v5 =	vld [tilespmem:s21+$0xA0]  }
0x51: {  	v6 =	vld [tilespmem:s20+$0xFFFFFF20]  }
0x52: {  	[tilespmem:s20+$0xFFFFFF90] =	vst v4;
	v3 =	vmul.f32 v7, v3;
	v4 =	vld [tilespmem:s20+$0xFFFFFFA0]  }
0x53: {  	v7 =	vld [tilespmem:s21+$0xFFFFFFA0];
	v2 =	vmul.f32 v2, v8  }
0x54: {  	[tilespmem:s20+$0x10] =	vst v3;
	v3 =	vld [tilespmem:s20+$0x20]  }
0x55: {  	v8 =	vld [tilespmem:s21+$0x20];
	[tilespmem:s20+$0xFFFFFF10] =	vst v2;
	v1 =	vmul.f32 v5, v1  }
0x56: {  	v2 =	vld [tilespmem:s21+$0xFFFFFF20]  }
0x57: {  	[tilespmem:s20+$0xA0] =	vst v1;
	v1 =	vld [tilespmem:s20+$0xB0]  }
0x58: {  	v4 =	vmul.f32 v7, v4;
	v5 =	vld [tilespmem:s21+$0xB0]  }
0x59: {  	v7 =	vld [tilespmem:s20+$0xFFFFFF30]  }
0x5a: {  	[tilespmem:s20+$0xFFFFFFA0] =	vst v4;
	v3 =	vmul.f32 v8, v3;
	v4 =	vld [tilespmem:s20+$0xFFFFFFB0]  }
0x5b: {  	v8 =	vld [tilespmem:s21+$0xFFFFFFB0];
	v2 =	vmul.f32 v2, v6  }
0x5c: {  	[tilespmem:s20+$0x20] =	vst v3;
	v3 =	vld [tilespmem:s20+$0x30]  }
0x5d: {  	v6 =	vld [tilespmem:s21+$0x30];
	[tilespmem:s20+$0xFFFFFF20] =	vst v2;
	v1 =	vmul.f32 v5, v1  }
0x5e: {  	v2 =	vld [tilespmem:s21+$0xFFFFFF30]  }
0x5f: {  	[tilespmem:s20+$0xB0] =	vst v1;
	v1 =	vld [tilespmem:s20+$0xC0]  }
0x60: {  	v4 =	vmul.f32 v8, v4;
	v5 =	vld [tilespmem:s21+$0xC0]  }
0x61: {  	v8 =	vld [tilespmem:s20+$0xFFFFFF40]  }
0x62: {  	[tilespmem:s20+$0xFFFFFFB0] =	vst v4;
	v3 =	vmul.f32 v6, v3;
	v4 =	vld [tilespmem:s20+$0xFFFFFFC0]  }
0x63: {  	v6 =	vld [tilespmem:s21+$0xFFFFFFC0];
	v2 =	vmul.f32 v2, v7  }
0x64: {  	[tilespmem:s20+$0x30] =	vst v3;
	v3 =	vld [tilespmem:s20+$0x40]  }
0x65: {  	v7 =	vld [tilespmem:s21+$0x40];
	[tilespmem:s20+$0xFFFFFF30] =	vst v2;
	v1 =	vmul.f32 v5, v1  }
0x66: {  	v2 =	vld [tilespmem:s21+$0xFFFFFF40]  }
0x67: {  	[tilespmem:s20+$0xC0] =	vst v1;
	v1 =	vld [tilespmem:s20+$0xD0]  }
0x68: {  	v4 =	vmul.f32 v6, v4;
	v5 =	vld [tilespmem:s21+$0xD0]  }
0x69: {  	v6 =	vld [tilespmem:s20+$0xFFFFFF50]  }
0x6a: {  	[tilespmem:s20+$0xFFFFFFC0] =	vst v4;
	v3 =	vmul.f32 v7, v3;
	v4 =	vld [tilespmem:s20+$0xFFFFFFD0]  }
0x6b: {  	v7 =	vld [tilespmem:s21+$0xFFFFFFD0];
	v2 =	vmul.f32 v2, v8  }
0x6c: {  	[tilespmem:s20+$0x40] =	vst v3;
	v3 =	vld [tilespmem:s20+$0x50]  }
0x6d: {  	v8 =	vld [tilespmem:s21+$0x50];
	[tilespmem:s20+$0xFFFFFF40] =	vst v2;
	v1 =	vmul.f32 v5, v1  }
0x6e: {  	v2 =	vld [tilespmem:s21+$0xFFFFFF50]  }
0x6f: {  	[tilespmem:s20+$0xD0] =	vst v1;
	v1 =	vld [tilespmem:s20+$0xE0]  }
0x70: {  	v4 =	vmul.f32 v7, v4;
	v5 =	vld [tilespmem:s21+$0xE0]  }
0x71: {  	v7 =	vld [tilespmem:s20+$0xFFFFFF60]  }
0x72: {  	[tilespmem:s20+$0xFFFFFFD0] =	vst v4;
	v3 =	vmul.f32 v8, v3;
	v4 =	vld [tilespmem:s20+$0xFFFFFFE0]  }
0x73: {  	v8 =	vld [tilespmem:s21+$0xFFFFFFE0];
	v2 =	vmul.f32 v2, v6  }
0x74: {  	[tilespmem:s20+$0x50] =	vst v3;
	v3 =	vld [tilespmem:s20+$0x60]  }
0x75: {  	v6 =	vld [tilespmem:s21+$0x60];
	[tilespmem:s20+$0xFFFFFF50] =	vst v2;
	v1 =	vmul.f32 v5, v1  }
0x76: {  	v5 =	vld [tilespmem:s21+$0xFFFFFF60]  }
0x77: {  	v9 =	vld [tilespmem:s20+$0xF0];
	[tilespmem:s20+$0xE0] =	vst v1  }
0x78: {  	v2 =	vmul.f32 v8, v4;
	v8 =	vld [tilespmem:s21+$0xF0]  }
0x79: {  	v1 =	vld [tilespmem:s20+$0xFFFFFF70]  }
0x7a: {  	[tilespmem:s20+$0xFFFFFFE0] =	vst v2;
	v3 =	vmul.f32 v6, v3;
	v2 =	vld [tilespmem:s20+$0xFFFFFFF0]  }
0x7b: {  	v4 =	vld [tilespmem:s21+$0xFFFFFFF0];
	v5 =	vmul.f32 v5, v7  }
0x7c: {  	[tilespmem:s20+$0x60] =	vst v3;
	v3 =	vld [tilespmem:s20+$0x70]  }
0x7d: {  	[tilespmem:s20+$0xFFFFFF60] =	vst v5;
	v5 =	vld [tilespmem:s21+$0x70];
	v7 =	vmul.f32 v8, v9  }
0x7e: {  	s23 =	simm.s32 $0x400;
	s22 =	simm.s32 $0x0;
	v6 =	vld [tilespmem:s21+$0xFFFFFF70]  }
.LBB2_7:
0x7f: {  	v8 =	vld [tilespmem:s23+$0x80];
	[tilespmem:s20+$0xF0] =	vst v7;
	s21 =	sadd.s32 $0x200, s21  }
0x80: {  	s22 =	sadd.s32 $0x4, s22;
	v7 =	vld [tilespmem:s21+$0x80];
	v2 =	vmul.f32 v4, v2  }
0x81: {  	p0 =	slt.u32 s22, $0x7C;
	v4 =	vld [tilespmem:s21+$0xFFFFFF00]  }
0x82: {  	v9 =	vld [tilespmem:s23+$0xFFFFFF80];
	[tilespmem:s20+$0xFFFFFFF0] =	vst v2;
	v2 =	vmul.f32 v5, v3  }
0x83: {  	v3 =	vld [tilespmem:s21+$0xFFFFFF80];
	v1 =	vmul.f32 v6, v1  }
0x84: {  	v5 =	vld [tilespmem:s23+$0x0];
	[tilespmem:s20+$0x70] =	vst v2  }
0x85: {  	v2 =	vld [tilespmem:s21+$0x0];
	v6 =	vmul.f32 v7, v8;
	[tilespmem:s20+$0xFFFFFF70] =	vst v1;
	s20 =	smov.u32 s23  }
0x86: {  	v1 =	vld [tilespmem:s23+$0xFFFFFF00]  }
0x87: {  	[tilespmem:s23+$0x80] =	vst v6;
	v6 =	vld [tilespmem:s23+$0x90]  }
0x88: {  	v3 =	vmul.f32 v3, v9;
	v7 =	vld [tilespmem:s21+$0x90]  }
0x89: {  	v8 =	vld [tilespmem:s23+$0xFFFFFF10]  }
0x8a: {  	[tilespmem:s23+$0xFFFFFF80] =	vst v3;
	v3 =	vld [tilespmem:s23+$0xFFFFFF90];
	v2 =	vmul.f32 v2, v5  }
0x8b: {  	v1 =	vmul.f32 v4, v1;
	v4 =	vld [tilespmem:s21+$0xFFFFFF90]  }
0x8c: {  	[tilespmem:s23+$0x0] =	vst v2;
	v2 =	vld [tilespmem:s23+$0x10]  }
0x8d: {  	[tilespmem:s23+$0xFFFFFF00] =	vst v1;
	v1 =	vld [tilespmem:s21+$0x10];
	v5 =	vmul.f32 v7, v6  }
0x8e: {  	v6 =	vld [tilespmem:s21+$0xFFFFFF10]  }
0x8f: {  	[tilespmem:s23+$0x90] =	vst v5;
	v5 =	vld [tilespmem:s23+$0xA0]  }
0x90: {  	v3 =	vmul.f32 v4, v3;
	v4 =	vld [tilespmem:s21+$0xA0]  }
0x91: {  	v7 =	vld [tilespmem:s23+$0xFFFFFF20]  }
0x92: {  	[tilespmem:s23+$0xFFFFFF90] =	vst v3;
	v3 =	vld [tilespmem:s23+$0xFFFFFFA0];
	v1 =	vmul.f32 v1, v2  }
0x93: {  	v2 =	vmul.f32 v6, v8;
	v6 =	vld [tilespmem:s21+$0xFFFFFFA0]  }
0x94: {  	[tilespmem:s23+$0x10] =	vst v1;
	v1 =	vld [tilespmem:s23+$0x20]  }
0x95: {  	[tilespmem:s23+$0xFFFFFF10] =	vst v2;
	v2 =	vld [tilespmem:s21+$0x20];
	v4 =	vmul.f32 v4, v5  }
0x96: {  	v5 =	vld [tilespmem:s21+$0xFFFFFF20]  }
0x97: {  	[tilespmem:s23+$0xA0] =	vst v4;
	v4 =	vld [tilespmem:s23+$0xB0]  }
0x98: {  	v3 =	vmul.f32 v6, v3;
	v6 =	vld [tilespmem:s21+$0xB0]  }
0x99: {  	v8 =	vld [tilespmem:s23+$0xFFFFFF30]  }
0x9a: {  	[tilespmem:s23+$0xFFFFFFA0] =	vst v3;
	v3 =	vld [tilespmem:s23+$0xFFFFFFB0];
	v1 =	vmul.f32 v2, v1  }
0x9b: {  	v2 =	vmul.f32 v5, v7;
	v5 =	vld [tilespmem:s21+$0xFFFFFFB0]  }
0x9c: {  	[tilespmem:s23+$0x20] =	vst v1;
	v1 =	vld [tilespmem:s23+$0x30]  }
0x9d: {  	[tilespmem:s23+$0xFFFFFF20] =	vst v2;
	v2 =	vld [tilespmem:s21+$0x30];
	v4 =	vmul.f32 v6, v4  }
0x9e: {  	v6 =	vld [tilespmem:s21+$0xFFFFFF30]  }
0x9f: {  	[tilespmem:s23+$0xB0] =	vst v4;
	v4 =	vld [tilespmem:s23+$0xC0]  }
0xa0: {  	v3 =	vmul.f32 v5, v3;
	v5 =	vld [tilespmem:s21+$0xC0]  }
0xa1: {  	v7 =	vld [tilespmem:s23+$0xFFFFFF40]  }
0xa2: {  	[tilespmem:s23+$0xFFFFFFB0] =	vst v3;
	v3 =	vld [tilespmem:s23+$0xFFFFFFC0];
	v1 =	vmul.f32 v2, v1  }
0xa3: {  	v2 =	vmul.f32 v6, v8;
	v6 =	vld [tilespmem:s21+$0xFFFFFFC0]  }
0xa4: {  	[tilespmem:s23+$0x30] =	vst v1;
	v1 =	vld [tilespmem:s23+$0x40]  }
0xa5: {  	[tilespmem:s23+$0xFFFFFF30] =	vst v2;
	v2 =	vld [tilespmem:s21+$0x40];
	v4 =	vmul.f32 v5, v4  }
0xa6: {  	v5 =	vld [tilespmem:s21+$0xFFFFFF40]  }
0xa7: {  	[tilespmem:s23+$0xC0] =	vst v4;
	v4 =	vld [tilespmem:s23+$0xD0]  }
0xa8: {  	v3 =	vmul.f32 v6, v3;
	v6 =	vld [tilespmem:s21+$0xD0]  }
0xa9: {  	v8 =	vld [tilespmem:s23+$0xFFFFFF50]  }
0xaa: {  	[tilespmem:s23+$0xFFFFFFC0] =	vst v3;
	v3 =	vld [tilespmem:s23+$0xFFFFFFD0];
	v1 =	vmul.f32 v2, v1  }
0xab: {  	v2 =	vmul.f32 v5, v7;
	v5 =	vld [tilespmem:s21+$0xFFFFFFD0]  }
0xac: {  	[tilespmem:s23+$0x40] =	vst v1;
	v1 =	vld [tilespmem:s23+$0x50]  }
0xad: {  	[tilespmem:s23+$0xFFFFFF40] =	vst v2;
	v2 =	vld [tilespmem:s21+$0x50];
	v4 =	vmul.f32 v6, v4  }
0xae: {  	v6 =	vld [tilespmem:s21+$0xFFFFFF50]  }
0xaf: {  	[tilespmem:s23+$0xD0] =	vst v4;
	v4 =	vld [tilespmem:s23+$0xE0]  }
0xb0: {  	v3 =	vmul.f32 v5, v3;
	v5 =	vld [tilespmem:s21+$0xE0]  }
0xb1: {  	v7 =	vld [tilespmem:s23+$0xFFFFFF60]  }
0xb2: {  	[tilespmem:s23+$0xFFFFFFD0] =	vst v3;
	v3 =	vld [tilespmem:s23+$0xFFFFFFE0];
	v1 =	vmul.f32 v2, v1  }
0xb3: {  	v2 =	vmul.f32 v6, v8;
	v6 =	vld [tilespmem:s21+$0xFFFFFFE0]  }
0xb4: {  	[tilespmem:s23+$0x50] =	vst v1;
	v8 =	vld [tilespmem:s23+$0x60]  }
0xb5: {  	[tilespmem:s23+$0xFFFFFF50] =	vst v2;
	v9 =	vld [tilespmem:s21+$0x60];
	v1 =	vmul.f32 v5, v4  }
0xb6: {  	v4 =	vld [tilespmem:s21+$0xFFFFFF60]  }
0xb7: {  	[tilespmem:s23+$0xE0] =	vst v1;
	v10 =	vld [tilespmem:s23+$0xF0]  }
0xb8: {  	v2 =	vmul.f32 v6, v3;
	v6 =	vld [tilespmem:s21+$0xF0]  }
0xb9: {  	v1 =	vld [tilespmem:s23+$0xFFFFFF70]  }
.Ltmp2:
0xba: {  	[tilespmem:s23+$0xFFFFFFE0] =	vst v2;
	v2 =	vld [tilespmem:s23+$0xFFFFFFF0];
	v3 =	vmul.f32 v9, v8;
	(pc) =	sbr.rel @p0 .LBB2_7-.Ltmp2, $4  }
0xbb: {  	v5 =	vmul.f32 v4, v7;
	v4 =	vld [tilespmem:s21+$0xFFFFFFF0]  }
0xbc: {  	[tilespmem:s23+$0x60] =	vst v3;
	v3 =	vld [tilespmem:s23+$0x70]  }
0xbd: {  	[tilespmem:s23+$0xFFFFFF60] =	vst v5;
	v5 =	vld [tilespmem:s21+$0x70];
	v7 =	vmul.f32 v6, v10  }
0xbe: {  	s23 =	sadd.s32 $0x200, s23;
	v6 =	vld [tilespmem:s21+$0xFFFFFF70]  }
0xbf: {  	_ =	sdelay $0x1  }
0xc0: {  	v2 =	vmul.f32 v4, v2  }
0xc1: {  	[tilespmem:s20+$0xF0] =	vst v7;
	v3 =	vmul.f32 v5, v3  }
0xc2: {  	s19 =	sadd.s32 $0x1, s19;
	[tilespmem:s20+$0xFFFFFFF0] =	vst v2;
	v1 =	vmul.f32 v6, v1  }
0xc3: {  	p0 =	sne.s32 s19, $0x28;
	[tilespmem:s20+$0x70] =	vst v3  }
.Ltmp3:
0xc4: {  	[tilespmem:s20+$0xFFFFFF70] =	vst v1;
	(pc) =	sbr.rel @p0 .LBB2_6-.Ltmp3, $4  }
0xc5: {  	[spmem:s2] =	stream.indirect.scatter.add.f32 [tilespmem:s15], [sflag:$0x2], $0x80, s14, s14, $0xb8;
	[tilespmem:$0x1C900] =	vst v63  }
0xc6: {  	_ =	swait.ge [sflag:s13], $0x4000  }
0xc7: {  	[sflag:s13] =	ssyncset.done $0x0  }
0xc8: {  	[sflag:s13] =	ssyncadd.s32 $0xFFFFC000  }
0xc9: {  	s18 =	sadd.s32 $0x1, s18  }
0xca: {  	s19 =	sshll.u32 s3, $0x6;
	[bflag:$0x0] =	sbarrier.arrive $0xFFFF;
	p0 =	sne.s32 s18, s11  }
.Ltmp4:
0xcb: {  	s20 =	sshrl.u32 s9, $0x3;
	s19 =	sor.u32 $0x1C02, s19;
	(pc) =	sbr.rel @p0 .LBB2_1-.Ltmp4, $4  }
0xcc: {  	[hbm:s10], [sflag:s19] =	dma.local [spmem:s20], $0x2800  }
0xcd: {  	_ =	swait.ge [sflag:s13], $0x2800  }
0xce: {  	[sflag:s13] =	ssyncset.done $0x0  }
0xcf: {  	[sflag:s13] =	ssyncadd.s32 $0xFFFFD800  }
0xd0: {  	_ =	sfence.sel $0x180000  }
0xd1: {  	[bflag:$0x0] =	sbarrier.arrive $0xFFFF  }
0xd2: {  	p0 =	sne.s32 s3, $0x0;
	_ =	strace $0x9000004A  }
0xd3: {  	s0 =	sadd.s32 @!p0 $0x100000, s0;
	[bflag:$0x2] =	sbarrier.arrive $0xFFFF  }
0xd4: {  	[sflag:s0] =	ssyncadd.tile.s32 @!p0 $0x1;
	_ =	shalt  }
.Lfunc_end2:
_tile_overlayer_lowered:
.L_overlay_start_2:
0xd5: {  	(tag) =	ssettag $0x2  }
0xd6: {  	s0 =	rddreg [dreg:$0x0];
	s2 =	stileid.u32  }
0xd7: {  	s1 =	rddreg [dreg:$0x1];
	p0 =	sne.s32 s2, $0x0  }
0xd8: {  	s3 =	rddreg [dreg:$0x2];
	[bflag:$0x3] =	sbarrier.arrive $0xFFFF;
	s2 =	simm.s32 @!p0 $0x1C02  }
0xd9: {  	[timem:s3], [sflag:s2] =	dma.local @!p0 [hbm:s0], s1  }
0xda: {  	s0 =	simm.s32 @!p0 $0x2  }
0xdb: {  	_ =	swait.ge @!p0 [sflag:s0], s1  }
0xdc: {  	s1 =	ssub.s32 @!p0 $0x0, s1;
	[sflag:s0] =	ssyncset.done @!p0 $0x0  }
0xdd: {  	[sflag:s0] =	ssyncadd.s32 @!p0 s1  }
0xde: {  	[bflag:$0x3] =	sbarrier.arrive $0xFFFF  }
0xdf: {  	_ =	shalt  }

// kernel: kernel.16.cloned.1.call-start
scs
__scs_entry_jumppad:
0x0: {  	(pc) =	sbr.rel $0x88, $3  }
0x1: {  	(tag) =	ssettag $0x0;
	lr =	simm.s32 $0x1  }
0x2: {  	[smem:$0x3F95] =	sst lr;
	_ =	strace $0xD0000000  }
0x3: {  	_ = 	snop  }
0x4: {  	_ = 	snop  }
0x5: {  	_ = 	snop  }
0x6: {  	_ = 	snop  }
0x7: {  	_ = 	snop  }
__scs_overlays_trampoline_lowered:
0x8: {  	[smem:$0x3FA4] =	sst s0  }
0x9: {  	[smem:$0x3FA5] =	sst s1  }
0xa: {  	[smem:$0x3FA6] =	sst s2  }
0xb: {  	[smem:$0x3FA7] =	sst s3  }
0xc: {  	[smem:$0x3FA8] =	sst s4  }
0xd: {  	[smem:$0x3FA9] =	sst s5  }
0xe: {  	[smem:$0x3FAA] =	sst s6  }
0xf: {  	[smem:$0x3FAB] =	sst s7  }
0x10: {  	[smem:$0x3FAC] =	sst s8  }
0x11: {  	[smem:$0x3FAD] =	sst s9;
	s0 =	simm.s32 @!p0 $0x0  }
0x12: {  	s1 =	sld [smem:$0x3F93];
	s0 =	simm.s32 @p0 $0x1  }
0x13: {  	[smem:$0x3FAE] =	sst s0;
	s0 =	simm.s32 @!p1 $0x0  }
0x14: {  	s2 =	sld [smem:$0x3F92];
	s0 =	simm.s32 @p1 $0x1  }
0x15: {  	[smem:$0x3FAF] =	sst s0;
	s0 =	simm.s32 @!p2 $0x0  }
0x16: {  	s3 =	sld [smem:$0x3FDB];
	s0 =	simm.s32 @p2 $0x1  }
0x17: {  	s4 =	simm.s32 $0x1BF5;
	[smem:$0x3FB1] =	sst s0  }
0x18: {  	s0 =	sld [smem:$0x3F94];
	_ =	swait.ge [sflag:s4], $0x0  }
0x19: {  	s7 =	sld [smem:$0x3F95]  }
0x1a: {  	s8 =	sadd.s32 $0xFFFFE003, lr  }
0x1b: {  	s9 =	sadd.s32 $0xFFFFFEF7, lr;
	s5 =	simm.s32 $0xFFFFFFFF;
	p2 =	slt.u32 s8, $0xFFFFF086  }
0x1c: {  	p1 =	slt.u32 s9, $0xF7A;
	s5 =	simm.s32 @!p2 $0x0  }
0x1d: {  	s5 =	simm.s32 @p1 $0x1;
	p0 =	seq.s32 s7, s2  }
0x1e: {  	s7 =	smul.u32 @!p0 $0xF7A, s2;
	p2 =	seq.s32 @!p0 s5, $0x0  }
0x1f: {  	s9 =	smul.u32 $0xF7A, s1;
	s8 =	simm.s32 @!p0 $0x1BF5;
	p2 =	por !p2, p0  }
0x20: {  	[sflag:s8] =	ssyncset.s32 @!p0 $0xFFFFF086;
	s6 =	sadd.s32 @!p0 s3, s7;
	s7 =	simm.s32 @!p0 $0x108  }
0x21: {  	s3 =	sadd.s32 s3, s9;
	s6 =	sadd.s32 @!p0 $0x88, s6;
	s7 =	simm.s32 @p2 $0x1082  }
0x22: {  	[simem:s7], [sflag:s8] =	dma.local @!p0 [hbm:s6], $0xF7A  }
0x23: {  	s9 =	sor.u32 $0xD0000000, s2;
	s6 =	simm.s32 $0x108;
	_ =	swait.ge @!p0 [sflag:s8], $0x0  }
0x24: {  	s3 =	sadd.s32 $0x88, s3;
	s6 =	simm.s32 @!p1 $0x1082;
	[sflag:s4] =	ssyncset.s32 $0xFFFFF086  }
0x25: {  	[simem:s6], [sflag:s4] =	dma.local [hbm:s3], $0xF7A  }
0x26: {  	[smem:$0x3F95] =	sst s1;
	(tag) =	ssettag s2;
	_ =	strace s9  }
0x27: {  	s1 =	sld [smem:$0x3FA5]  }
0x28: {  	s2 =	sld [smem:$0x3FA6]  }
0x29: {  	s4 =	sld [smem:$0x3FA8]  }
0x2a: {  	p0 =	seq.s32 s5, $0x0;
	s5 =	sld [smem:$0x3FA9]  }
0x2b: {  	s6 =	sld [smem:$0x3FAA]  }
0x2c: {  	s7 =	sld [smem:$0x3FAB]  }
0x2d: {  	s3 =	simm.s32 $0x108;
	s8 =	sld [smem:$0x3FAC]  }
0x2e: {  	s3 =	simm.s32 @!p0 $0x1082;
	s9 =	sld [smem:$0x3FAD]  }
0x2f: {  	lr =	sadd.s32 s0, s3;
	s0 =	sld [smem:$0x3FA4]  }
0x30: {  	s3 =	sld [smem:$0x3FA7]  }
0x31: {  	[smem:$0x3FB0] =	sst s10  }
0x32: {  	s10 =	sld [smem:$0x3FAE];
	_ =	sdelay $0x3  }
0x33: {  	p0 =	seq.s32 s10, $0x1;
	s10 =	sld [smem:$0x3FB0];
	_ =	sdelay $0x3  }
0x34: {  	[smem:$0x3FB0] =	sst s10  }
0x35: {  	s10 =	sld [smem:$0x3FAF];
	_ =	sdelay $0x3  }
0x36: {  	p1 =	seq.s32 s10, $0x1;
	s10 =	sld [smem:$0x3FB0];
	_ =	sdelay $0x3  }
0x37: {  	[smem:$0x3FB0] =	sst s10  }
0x38: {  	s10 =	sld [smem:$0x3FB1]  }
0x39: {  	_ = 	snop;
	(pc) =	sbr.ind lr, $3  }
0x3a: {  	_ = 	snop  }
0x3b: {  	_ = 	snop  }
0x3c: {  	p2 =	seq.s32 s10, $0x1;
	s10 =	sld [smem:$0x3FB0]  }
0x3d: {  	_ =	shalt  }
0x3e: {  	_ =	shalt  }
0x3f: {  	_ =	shalt  }
0x40: {  	_ =	shalt  }
0x41: {  	_ =	shalt  }
0x42: {  	_ =	shalt  }
0x43: {  	_ =	shalt  }
0x44: {  	_ =	shalt  }
0x45: {  	_ =	shalt  }
0x46: {  	_ =	shalt  }
0x47: {  	_ =	shalt  }
0x48: {  	_ =	shalt  }
0x49: {  	_ =	shalt  }
0x4a: {  	_ =	shalt  }
0x4b: {  	_ =	shalt  }
0x4c: {  	_ =	shalt  }
0x4d: {  	_ =	shalt  }
0x4e: {  	_ =	shalt  }
0x4f: {  	_ =	shalt  }
0x50: {  	_ =	shalt  }
0x51: {  	_ =	shalt  }
0x52: {  	_ =	shalt  }
0x53: {  	_ =	shalt  }
0x54: {  	_ =	shalt  }
0x55: {  	_ =	shalt  }
0x56: {  	_ =	shalt  }
0x57: {  	_ =	shalt  }
0x58: {  	_ =	shalt  }
0x59: {  	_ =	shalt  }
0x5a: {  	_ =	shalt  }
0x5b: {  	_ =	shalt  }
0x5c: {  	_ =	shalt  }
0x5d: {  	_ =	shalt  }
0x5e: {  	_ =	shalt  }
0x5f: {  	_ =	shalt  }
0x60: {  	_ =	shalt  }
0x61: {  	_ =	shalt  }
0x62: {  	_ =	shalt  }
0x63: {  	_ =	shalt  }
0x64: {  	_ =	shalt  }
0x65: {  	_ =	shalt  }
0x66: {  	_ =	shalt  }
0x67: {  	_ =	shalt  }
0x68: {  	_ =	shalt  }
0x69: {  	_ =	shalt  }
0x6a: {  	_ =	shalt  }
0x6b: {  	_ =	shalt  }
0x6c: {  	_ =	shalt  }
0x6d: {  	_ =	shalt  }
0x6e: {  	_ =	shalt  }
0x6f: {  	_ =	shalt  }
0x70: {  	_ =	shalt  }
0x71: {  	_ =	shalt  }
0x72: {  	_ =	shalt  }
0x73: {  	_ =	shalt  }
0x74: {  	_ =	shalt  }
0x75: {  	_ =	shalt  }
0x76: {  	_ =	shalt  }
0x77: {  	_ =	shalt  }
0x78: {  	_ =	shalt  }
0x79: {  	_ =	shalt  }
0x7a: {  	_ =	shalt  }
0x7b: {  	_ =	shalt  }
0x7c: {  	_ =	shalt  }
0x7d: {  	_ =	shalt  }
0x7e: {  	_ =	shalt  }
0x7f: {  	_ =	shalt  }
0x80: {  	_ =	shalt  }
0x81: {  	_ =	shalt  }
0x82: {  	_ =	shalt  }
0x83: {  	_ =	shalt  }
0x84: {  	_ =	shalt  }
0x85: {  	_ =	shalt  }
0x86: {  	_ =	shalt  }
0x87: {  	_ =	shalt  }
.Lfunc_end0:
.L_simem_size_0:
called_computation.2_lowered:
.L_overlay_start_0:
0x88: {  	s2 =	sld [smem:$0x3FD9]  }
0x89: {  	s3 =	sld [smem:$0x3FFE];
	_ =	sdelay $0x1  }
0x8a: {  	s1 =	srdreg.scid  }
0x8b: {  	s0 =	sand.u32 $0x1, s1  }
0x8c: {  	s16 =	sshll.u32 s0, $0xA;
	s2 =	sadd.s32 s3, s2  }
0x8d: {  	s2 =	sadd.s32 s2, s16  }
0x8e: {  	[smem:$0x3FBC] =	sst s2  }
0x8f: {  	_ = 	snop  }
0x90: {  	(tm) =	ssettm $0x1  }
0x91: {  	s17 =	sld [smem:$0x3FFB];
	_ =	sdelay $0x3  }
0x92: {  	_ =	strace s17  }
0x93: {  	s2 =	sld [smem:$0x3FFC];
	_ =	sdelay $0x3  }
0x94: {  	_ =	strace s2  }
0x95: {  	s2 =	sld [smem:$0x3FFD];
	_ =	sdelay $0x3  }
0x96: {  	_ =	strace s2  }
0x97: {  	_ =	strace $0x8FFFFFFF  }
0x98: {  	s18 =	sld [smem:$0x3FDB];
	_ =	sdelay $0x1  }
0x99: {  	s19 =	simm.s32 $_scs_section_size  }
0x9a: {  	s4 =	simm.s32 $_size__tile_overlayer_lowered;
	s5 =	simm.s32 $_tile_overlayer_lowered  }
0x9b: {  	s22 =	simm.s32 $0x1BFF;
	s21 =	sshll.u32 s5, $0x1;
	s2 =	sadd.s32 s19, s18  }
0x9c: {  	s6 =	simm.s32 $0x0;
	s20 =	sshll.u32 s4, $0x1;
	s4 =	sadd.s32 s21, s2  }
0x9d: {  	[timem:s6], [sflag:s22] =	dma.local [hbm:s4], s20  }
0x9e: {  	_ =	swait.ge [sflag:s22], s20  }
0x9f: {  	s3 =	ssub.s32 $0x0, s20;
	[sflag:s22] =	ssyncset.done $0x0  }
0xa0: {  	[sflag:s22] =	ssyncadd.s32 s3;
	_ =	sdelay $0x1  }
0xa1: {  	s23 =	simm.s32 $0x1B8B  }
0xa2: {  	_ =	swait.ge [sflag:s23], $0x1  }
0xa3: {  	[sflag:s23] =	ssyncset.done $0x0  }
0xa4: {  	s25 =	simm.s32 $0x1B8E;
	s24 =	sld [smem:$0x3FFE];
	[sflag:s23] =	ssyncadd.s32 $0xFFFFFFFF  }
0xa5: {  	s26 =	simm.s32 $execute0_lowered;
	[smem:$0x3FD2] =	sst s25  }
0xa6: {  	s4 =	sshll.u32 s26, $0x1;
	_ =	strace $0x8000004C;
	[dreg:$0x1] =	wrdreg $0xFFFFFFFF  }
0xa7: {  	s28 =	simm.s32 $_size_execute0_lowered;
	s2 =	sadd.s32 s2, s4;
	[dreg:$0x0] =	wrdreg $0x0  }
0xa8: {  	s4 =	sshll.u32 s28, $0x1;
	[dreg:$0x2] =	wrdreg s2  }
0xa9: {  	[dreg:$0x3] =	wrdreg s4  }
0xaa: {  	[dreg:$0x4] =	wrdreg $0xC0  }
0xab: {  	_ =	task [dreg:s6], $0x5FFFF  }
0xac: {  	[dreg:$0x1] =	wrdreg $0xFFFFFFFF  }
0xad: {  	[dreg:$0x0] =	wrdreg $0x60  }
0xae: {  	[dreg:$0x2] =	wrdreg s24  }
0xaf: {  	[dreg:$0x3] =	wrdreg $0x89000  }
0xb0: {  	[dreg:$0x4] =	wrdreg $0x9  }
0xb1: {  	_ =	task.clear_ibuf [dreg:s6], $0x5FFFF;
	_ =	strace $0x9000004C  }
0xb2: {  	s29 =	simm.s32 $0x9;
	_ =	strace $0x8000004E  }
0xb3: {  	_ =	swait.ge [sflag:s29], $0x1  }
0xb4: {  	[sflag:s29] =	ssyncadd.s32 $0xFFFFFFFF  }
0xb5: {  	_ =	strace $0x9000004E  }
0xb6: {  	_ =	sfence  }
0xb7: {  	s30 =	sld [smem:$0x0];
	_ =	sdelay $0x2  }
0xb8: {  	s31 =	sshll.u32 s1, $0xD;
	s1 =	sshrl.u32 s1, $0x2  }
0xb9: {  	s3 =	sand.u32 $0x4000, s31;
	s1 =	sadd.s32 s1, s30  }
0xba: {  	s0 =	sor.u32 s3, s0;
	s1 =	sshll.u32 s1, $0x11  }
0xbb: {  	s0 =	sor.u32 s1, s0  }
0xbc: {  	s0 =	sadd.s32 $0x8F2B, s0  }
0xbd: {  	[sflag:s0] =	ssyncadd.remote.s32 $0x1  }
0xbe: {  	_ =	sfence.sel $0xFFFF  }
0xbf: {  	[dreg:$0x0] =	wrdreg $0xFFFFFFFF;
	(pc) =	sbr.abs _section_cstart, $3  }
0xc0: {  	[dreg:$0x1] =	wrdreg $0xFFFFFFFF  }
0xc1: {  	_ =	task.clear_ibuf [dreg:s6], $0x2FFFF;
	_ =	strace $0x9FFFFFFF  }
0xc2: {  	(tm) =	ssettm $0x7FFFFFFF  }
0xc3: {  	_ =	shalt  }
tec
execute0_lowered:
.L_overlay_start_1:
0x0: {  	(tag) =	ssettag $0x1  }
0x1: {  	s8 =	rddreg [dreg:$0x0]  }
0x2: {  	s1 =	rddreg [dreg:$0x1];
	s2 =	srdreg.scid  }
0x3: {  	s0 =	rddreg [dreg:$0x2];
	s3 =	simm.s32 $0x0;
	s14 =	simm.s32 $0x80  }
0x4: {  	s15 =	simm.s32 $0x100;
	s16 =	simm.s32 $0x4100;
	s17 =	simm.s32 $0x1  }
0x5: {  	s18 =	simm.s32 $0x0;
	s9 =	sand.u32 $0x1, s2;
	s2 =	stileid.u32  }
0x6: {  	[smem:$0x7FF] =	sst s3;
	s4 =	sadd.s32 $0xC600, s8;
	s7 =	smul.u32 $0x140000, s9  }
0x7: {  	s5 =	sadd.s32 $0x2DC600, s8;
	s6 =	sadd.s32 $0x2600, s8;
	s10 =	smul.u32 $0x14000, s2  }
0x8: {  	_ =	strace $0x8000004D;
	s30 =	ssub.s32 $0x2, s9;
	s12 =	sshll.u32 s2, $0x1  }
0x9: {  	s11 =	smul.u32 $0x50000, s2;
	s13 =	sshrl.u32 s30, $0x1;
	s9 =	sor.u32 s9, s12  }
0xa: {  	s12 =	simm.s32 $0x8100;
	s10 =	sadd.s32 s10, s7;
	s7 =	sadd.s32 $0x7600, s8  }
0xb: {  	s11 =	sshrl.u32 s11, $0x2;
	s31 =	ssub.s32 s30, s13;
	s10 =	sshrl.u32 s10, $0x3  }
0xc: {  	s13 =	simm.s32 $0x2;
	s10 =	sadd.s32 s10, s8;
	s8 =	smul.u32 $0x1400, s9  }
0xd: {  	v0 =	vimm.f32 $0.0e+00;
	s9 =	sadd.s32 s11, s1;
	s11 =	smax.u32 s31, $0x1;
	s10 =	sadd.s32 $0x33800, s10  }
.LBB2_1:
0xe: {  	s19 =	simm.s32 $0x0;
	s20 =	simm.s32 $0x200  }
.LBB2_2:
0xf: {  	p0 =	sne.s32 s20, $0x1E00;
	[tilespmem:s19+$0x8170] =	vst v0  }
0x10: {  	[tilespmem:s19+$0x8100] =	vst v0  }
0x11: {  	[tilespmem:s19+$0x8110] =	vst v0  }
.Ltmp0:
0x12: {  	[tilespmem:s19+$0x8120] =	vst v0;
	(pc) =	sbr.rel @p0 .LBB2_2-.Ltmp0, $4  }
0x13: {  	[tilespmem:s19+$0x8130] =	vst v0  }
0x14: {  	[tilespmem:s19+$0x8140] =	vst v0  }
0x15: {  	[tilespmem:s19+$0x8150] =	vst v0  }
0x16: {  	[tilespmem:s19+$0x8160] =	vst v0;
	s19 =	sshra.s32 s20, $0x2;
	s20 =	sadd.s32 $0x200, s20  }
0x17: {  	[tilespmem:s19+$0x8170] =	vst v0  }
0x18: {  	[tilespmem:s19+$0x8100] =	vst v0  }
0x19: {  	[tilespmem:s19+$0x8110] =	vst v0  }
0x1a: {  	[tilespmem:s19+$0x8120] =	vst v0  }
0x1b: {  	[tilespmem:s19+$0x8130] =	vst v0  }
0x1c: {  	[tilespmem:s19+$0x8140] =	vst v0  }
0x1d: {  	[tilespmem:s19+$0x8150] =	vst v0  }
0x1e: {  	[tilespmem:s19+$0x8160] =	vst v0;
	s31 =	sadd.s32 $0x0, s9  }
0x1f: {  	[spmem:s31] =	stream.linear.scatter [tilespmem:s12], [sflag:$0x2], $0x800, $0x38;
	[tilespmem:$0x1C900] =	vst v63  }
0x20: {  	s19 =	simm.s32 $0x2000;
	_ =	swait.ge [sflag:s13], $0x800  }
.LBB2_4:
0x21: {  	s20 =	sshra.s32 s19, $0x2;
	[sflag:s13] =	ssyncset.done $0x0;
	p0 =	sne.s32 s19, $0x4E000  }
.Ltmp1:
0x22: {  	s20 =	sadd.s32 s20, s9;
	[sflag:s13] =	ssyncadd.s32 $0xFFFFF800;
	(pc) =	sbr.rel @p0 .LBB2_4-.Ltmp1, $3  }
0x23: {  	[spmem:s20] =	stream.linear.scatter [tilespmem:s12], [sflag:$0x2], $0x800, $0x38;
	[tilespmem:$0x1C900] =	vst v63  }
0x24: {  	s19 =	sadd.s32 $0x2000, s19;
	_ =	sdelay $0x1  }
0x25: {  	_ =	swait.ge [sflag:s13], $0x800  }
0x26: {  	[sflag:s13] =	ssyncset.done $0x0  }
0x27: {  	[sflag:s13] =	ssyncadd.s32 $0xFFFFF800  }
0x28: {  	s19 =	simm.s32 $0x0;
	[bflag:$0x0] =	sbarrier.arrive $0xFFFF  }
.LBB2_6:
0x29: {  	s20 =	sshll.u32 s19, $0x7  }
0x2a: {  	s20 =	sadd.s32 s8, s20  }
0x2b: {  	s21 =	sshrl.u32 s20, $0x3  }
0x2c: {  	s22 =	sadd.s32 s6, s21  }
0x2d: {  	[tilespmem:s3], [sflag:$0x2] =	stream.linear.gather [hbm4b:s22+s3], $0x80, $0x38;
	[tilespmem:$0x1C900] =	vst v63  }
0x2e: {  	_ =	swait.ge [sflag:s13], $0x80  }
0x2f: {  	[sflag:s13] =	ssyncset.done $0x0  }
0x30: {  	s21 =	sadd.s32 s7, s21;
	[sflag:s13] =	ssyncadd.s32 $0xFFFFFF80  }
0x31: {  	[tilespmem:s14], [sflag:$0x2] =	stream.linear.gather [hbm4b:s21+s3], $0x80, $0x38;
	[tilespmem:$0x1C900] =	vst v63  }
0x32: {  	_ =	swait.ge [sflag:s13], $0x80  }
0x33: {  	[sflag:s13] =	ssyncset.done $0x0  }
0x34: {  	s20 =	sshll.u32 s20, $0x4;
	[sflag:s13] =	ssyncadd.s32 $0xFFFFFF80  }
0x35: {  	[tilespmem:s15], [sflag:$0x1] =	stream.indirect.gather [hbm4b:s4+s14], $0x80, s3, s14, $0xb8;
	[tilespmem:$0x1C900] =	vst v63  }
0x36: {  	s20 =	sadd.s32 s5, s20  }
0x37: {  	[tilespmem:s16], [sflag:$0x2] =	stream.linear.gather [hbm4b:s20+s3], $0x4000, $0x38;
	[tilespmem:$0x1C900] =	vst v63  }
0x38: {  	_ =	swait.ge [sflag:s13], $0x4000  }
0x39: {  	[sflag:s13] =	ssyncset.done $0x0  }
0x3a: {  	[sflag:s13] =	ssyncadd.s32 $0xFFFFC000  }
0x3b: {  	_ =	swait.ge [sflag:s17], $0x4000  }
0x3c: {  	[sflag:s17] =	ssyncset.done $0x0  }
0x3d: {  	s20 =	simm.s32 $0x200;
	[sflag:s17] =	ssyncadd.s32 $0xFFFFC000  }
0x3e: {  	s21 =	simm.s32 $0x4200;
	v1 =	vld [tilespmem:s20+$0x80]  }
0x3f: {  	v2 =	vld [tilespmem:s21+$0x80]  }
0x40: {  	v3 =	vld [tilespmem:s20+$0xFFFFFF80]  }
0x41: {  	v4 =	vld [tilespmem:s21+$0xFFFFFF80]  }
0x42: {  	v5 =	vld [tilespmem:s20+$0x0]  }
0x43: {  	v6 =	vld [tilespmem:s21+$0x0]  }
0x44: {  	v7 =	vld [tilespmem:s20+$0xFFFFFF00];
	v1 =	vmul.f32 v2, v1  }
0x45: {  	v2 =	vld [tilespmem:s21+$0xFFFFFF00]  }
0x46: {  	[tilespmem:s20+$0x80] =	vst v1;
	v1 =	vld [tilespmem:s20+$0x90]  }
0x47: {  	v3 =	vmul.f32 v4, v3;
	v4 =	vld [tilespmem:s21+$0x90]  }
0x48: {  	v8 =	vld [tilespmem:s20+$0xFFFFFF10]  }
0x49: {  	[tilespmem:s20+$0xFFFFFF80] =	vst v3;
	v3 =	vmul.f32 v6, v5;
	v5 =	vld [tilespmem:s20+$0xFFFFFF90]  }
0x4a: {  	v6 =	vld [tilespmem:s21+$0xFFFFFF90];
	v2 =	vmul.f32 v2, v7  }
0x4b: {  	[tilespmem:s20+$0x0] =	vst v3;
	v3 =	vld [tilespmem:s20+$0x10]  }
0x4c: {  	v7 =	vld [tilespmem:s21+$0x10];
	[tilespmem:s20+$0xFFFFFF00] =	vst v2;
	v1 =	vmul.f32 v4, v1  }
0x4d: {  	v2 =	vld [tilespmem:s21+$0xFFFFFF10]  }
0x4e: {  	[tilespmem:s20+$0x90] =	vst v1;
	v1 =	vld [tilespmem:s20+$0xA0]  }
0x4f: {  	v4 =	vmul.f32 v6, v5;
	v5 =	vld [tilespmem:s21+$0xA0]  }
0x50: {  	v6 =	vld [tilespmem:s20+$0xFFFFFF20]  }
0x51: {  	[tilespmem:s20+$0xFFFFFF90] =	vst v4;
	v3 =	vmul.f32 v7, v3;
	v4 =	vld [tilespmem:s20+$0xFFFFFFA0]  }
0x52: {  	v7 =	vld [tilespmem:s21+$0xFFFFFFA0];
	v2 =	vmul.f32 v2, v8  }
0x53: {  	[tilespmem:s20+$0x10] =	vst v3;
	v3 =	vld [tilespmem:s20+$0x20]  }
0x54: {  	v8 =	vld [tilespmem:s21+$0x20];
	[tilespmem:s20+$0xFFFFFF10] =	vst v2;
	v1 =	vmul.f32 v5, v1  }
0x55: {  	v2 =	vld [tilespmem:s21+$0xFFFFFF20]  }
0x56: {  	[tilespmem:s20+$0xA0] =	vst v1;
	v1 =	vld [tilespmem:s20+$0xB0]  }
0x57: {  	v4 =	vmul.f32 v7, v4;
	v5 =	vld [tilespmem:s21+$0xB0]  }
0x58: {  	v7 =	vld [tilespmem:s20+$0xFFFFFF30]  }
0x59: {  	[tilespmem:s20+$0xFFFFFFA0] =	vst v4;
	v3 =	vmul.f32 v8, v3;
	v4 =	vld [tilespmem:s20+$0xFFFFFFB0]  }
0x5a: {  	v8 =	vld [tilespmem:s21+$0xFFFFFFB0];
	v2 =	vmul.f32 v2, v6  }
0x5b: {  	[tilespmem:s20+$0x20] =	vst v3;
	v3 =	vld [tilespmem:s20+$0x30]  }
0x5c: {  	v6 =	vld [tilespmem:s21+$0x30];
	[tilespmem:s20+$0xFFFFFF20] =	vst v2;
	v1 =	vmul.f32 v5, v1  }
0x5d: {  	v2 =	vld [tilespmem:s21+$0xFFFFFF30]  }
0x5e: {  	[tilespmem:s20+$0xB0] =	vst v1;
	v1 =	vld [tilespmem:s20+$0xC0]  }
0x5f: {  	v4 =	vmul.f32 v8, v4;
	v5 =	vld [tilespmem:s21+$0xC0]  }
0x60: {  	v8 =	vld [tilespmem:s20+$0xFFFFFF40]  }
0x61: {  	[tilespmem:s20+$0xFFFFFFB0] =	vst v4;
	v3 =	vmul.f32 v6, v3;
	v4 =	vld [tilespmem:s20+$0xFFFFFFC0]  }
0x62: {  	v6 =	vld [tilespmem:s21+$0xFFFFFFC0];
	v2 =	vmul.f32 v2, v7  }
0x63: {  	[tilespmem:s20+$0x30] =	vst v3;
	v3 =	vld [tilespmem:s20+$0x40]  }
0x64: {  	v7 =	vld [tilespmem:s21+$0x40];
	[tilespmem:s20+$0xFFFFFF30] =	vst v2;
	v1 =	vmul.f32 v5, v1  }
0x65: {  	v2 =	vld [tilespmem:s21+$0xFFFFFF40]  }
0x66: {  	[tilespmem:s20+$0xC0] =	vst v1;
	v1 =	vld [tilespmem:s20+$0xD0]  }
0x67: {  	v4 =	vmul.f32 v6, v4;
	v5 =	vld [tilespmem:s21+$0xD0]  }
0x68: {  	v6 =	vld [tilespmem:s20+$0xFFFFFF50]  }
0x69: {  	[tilespmem:s20+$0xFFFFFFC0] =	vst v4;
	v3 =	vmul.f32 v7, v3;
	v4 =	vld [tilespmem:s20+$0xFFFFFFD0]  }
0x6a: {  	v7 =	vld [tilespmem:s21+$0xFFFFFFD0];
	v2 =	vmul.f32 v2, v8  }
0x6b: {  	[tilespmem:s20+$0x40] =	vst v3;
	v3 =	vld [tilespmem:s20+$0x50]  }
0x6c: {  	v8 =	vld [tilespmem:s21+$0x50];
	[tilespmem:s20+$0xFFFFFF40] =	vst v2;
	v1 =	vmul.f32 v5, v1  }
0x6d: {  	v2 =	vld [tilespmem:s21+$0xFFFFFF50]  }
0x6e: {  	[tilespmem:s20+$0xD0] =	vst v1;
	v1 =	vld [tilespmem:s20+$0xE0]  }
0x6f: {  	v4 =	vmul.f32 v7, v4;
	v5 =	vld [tilespmem:s21+$0xE0]  }
0x70: {  	v7 =	vld [tilespmem:s20+$0xFFFFFF60]  }
0x71: {  	[tilespmem:s20+$0xFFFFFFD0] =	vst v4;
	v3 =	vmul.f32 v8, v3;
	v4 =	vld [tilespmem:s20+$0xFFFFFFE0]  }
0x72: {  	v8 =	vld [tilespmem:s21+$0xFFFFFFE0];
	v2 =	vmul.f32 v2, v6  }
0x73: {  	[tilespmem:s20+$0x50] =	vst v3;
	v3 =	vld [tilespmem:s20+$0x60]  }
0x74: {  	v6 =	vld [tilespmem:s21+$0x60];
	[tilespmem:s20+$0xFFFFFF50] =	vst v2;
	v1 =	vmul.f32 v5, v1  }
0x75: {  	v5 =	vld [tilespmem:s21+$0xFFFFFF60]  }
0x76: {  	v9 =	vld [tilespmem:s20+$0xF0];
	[tilespmem:s20+$0xE0] =	vst v1  }
0x77: {  	v2 =	vmul.f32 v8, v4;
	v8 =	vld [tilespmem:s21+$0xF0]  }
0x78: {  	v1 =	vld [tilespmem:s20+$0xFFFFFF70]  }
0x79: {  	[tilespmem:s20+$0xFFFFFFE0] =	vst v2;
	v3 =	vmul.f32 v6, v3;
	v2 =	vld [tilespmem:s20+$0xFFFFFFF0]  }
0x7a: {  	v4 =	vld [tilespmem:s21+$0xFFFFFFF0];
	v5 =	vmul.f32 v5, v7  }
0x7b: {  	[tilespmem:s20+$0x60] =	vst v3;
	v3 =	vld [tilespmem:s20+$0x70]  }
0x7c: {  	[tilespmem:s20+$0xFFFFFF60] =	vst v5;
	v5 =	vld [tilespmem:s21+$0x70];
	v7 =	vmul.f32 v8, v9  }
0x7d: {  	s23 =	simm.s32 $0x400;
	s22 =	simm.s32 $0x0;
	v6 =	vld [tilespmem:s21+$0xFFFFFF70]  }
.LBB2_7:
0x7e: {  	v8 =	vld [tilespmem:s23+$0x80];
	[tilespmem:s20+$0xF0] =	vst v7;
	s21 =	sadd.s32 $0x200, s21  }
0x7f: {  	s22 =	sadd.s32 $0x4, s22;
	v7 =	vld [tilespmem:s21+$0x80];
	v2 =	vmul.f32 v4, v2  }
0x80: {  	p0 =	slt.u32 s22, $0x7C;
	v4 =	vld [tilespmem:s21+$0xFFFFFF00]  }
0x81: {  	v9 =	vld [tilespmem:s23+$0xFFFFFF80];
	[tilespmem:s20+$0xFFFFFFF0] =	vst v2;
	v2 =	vmul.f32 v5, v3  }
0x82: {  	v3 =	vld [tilespmem:s21+$0xFFFFFF80];
	v1 =	vmul.f32 v6, v1  }
0x83: {  	v5 =	vld [tilespmem:s23+$0x0];
	[tilespmem:s20+$0x70] =	vst v2  }
0x84: {  	v2 =	vld [tilespmem:s21+$0x0];
	v6 =	vmul.f32 v7, v8;
	[tilespmem:s20+$0xFFFFFF70] =	vst v1;
	s20 =	smov.u32 s23  }
0x85: {  	v1 =	vld [tilespmem:s23+$0xFFFFFF00]  }
0x86: {  	[tilespmem:s23+$0x80] =	vst v6;
	v6 =	vld [tilespmem:s23+$0x90]  }
0x87: {  	v3 =	vmul.f32 v3, v9;
	v7 =	vld [tilespmem:s21+$0x90]  }
0x88: {  	v8 =	vld [tilespmem:s23+$0xFFFFFF10]  }
0x89: {  	[tilespmem:s23+$0xFFFFFF80] =	vst v3;
	v3 =	vld [tilespmem:s23+$0xFFFFFF90];
	v2 =	vmul.f32 v2, v5  }
0x8a: {  	v1 =	vmul.f32 v4, v1;
	v4 =	vld [tilespmem:s21+$0xFFFFFF90]  }
0x8b: {  	[tilespmem:s23+$0x0] =	vst v2;
	v2 =	vld [tilespmem:s23+$0x10]  }
0x8c: {  	[tilespmem:s23+$0xFFFFFF00] =	vst v1;
	v1 =	vld [tilespmem:s21+$0x10];
	v5 =	vmul.f32 v7, v6  }
0x8d: {  	v6 =	vld [tilespmem:s21+$0xFFFFFF10]  }
0x8e: {  	[tilespmem:s23+$0x90] =	vst v5;
	v5 =	vld [tilespmem:s23+$0xA0]  }
0x8f: {  	v3 =	vmul.f32 v4, v3;
	v4 =	vld [tilespmem:s21+$0xA0]  }
0x90: {  	v7 =	vld [tilespmem:s23+$0xFFFFFF20]  }
0x91: {  	[tilespmem:s23+$0xFFFFFF90] =	vst v3;
	v3 =	vld [tilespmem:s23+$0xFFFFFFA0];
	v1 =	vmul.f32 v1, v2  }
0x92: {  	v2 =	vmul.f32 v6, v8;
	v6 =	vld [tilespmem:s21+$0xFFFFFFA0]  }
0x93: {  	[tilespmem:s23+$0x10] =	vst v1;
	v1 =	vld [tilespmem:s23+$0x20]  }
0x94: {  	[tilespmem:s23+$0xFFFFFF10] =	vst v2;
	v2 =	vld [tilespmem:s21+$0x20];
	v4 =	vmul.f32 v4, v5  }
0x95: {  	v5 =	vld [tilespmem:s21+$0xFFFFFF20]  }
0x96: {  	[tilespmem:s23+$0xA0] =	vst v4;
	v4 =	vld [tilespmem:s23+$0xB0]  }
0x97: {  	v3 =	vmul.f32 v6, v3;
	v6 =	vld [tilespmem:s21+$0xB0]  }
0x98: {  	v8 =	vld [tilespmem:s23+$0xFFFFFF30]  }
0x99: {  	[tilespmem:s23+$0xFFFFFFA0] =	vst v3;
	v3 =	vld [tilespmem:s23+$0xFFFFFFB0];
	v1 =	vmul.f32 v2, v1  }
0x9a: {  	v2 =	vmul.f32 v5, v7;
	v5 =	vld [tilespmem:s21+$0xFFFFFFB0]  }
0x9b: {  	[tilespmem:s23+$0x20] =	vst v1;
	v1 =	vld [tilespmem:s23+$0x30]  }
0x9c: {  	[tilespmem:s23+$0xFFFFFF20] =	vst v2;
	v2 =	vld [tilespmem:s21+$0x30];
	v4 =	vmul.f32 v6, v4  }
0x9d: {  	v6 =	vld [tilespmem:s21+$0xFFFFFF30]  }
0x9e: {  	[tilespmem:s23+$0xB0] =	vst v4;
	v4 =	vld [tilespmem:s23+$0xC0]  }
0x9f: {  	v3 =	vmul.f32 v5, v3;
	v5 =	vld [tilespmem:s21+$0xC0]  }
0xa0: {  	v7 =	vld [tilespmem:s23+$0xFFFFFF40]  }
0xa1: {  	[tilespmem:s23+$0xFFFFFFB0] =	vst v3;
	v3 =	vld [tilespmem:s23+$0xFFFFFFC0];
	v1 =	vmul.f32 v2, v1  }
0xa2: {  	v2 =	vmul.f32 v6, v8;
	v6 =	vld [tilespmem:s21+$0xFFFFFFC0]  }
0xa3: {  	[tilespmem:s23+$0x30] =	vst v1;
	v1 =	vld [tilespmem:s23+$0x40]  }
0xa4: {  	[tilespmem:s23+$0xFFFFFF30] =	vst v2;
	v2 =	vld [tilespmem:s21+$0x40];
	v4 =	vmul.f32 v5, v4  }
0xa5: {  	v5 =	vld [tilespmem:s21+$0xFFFFFF40]  }
0xa6: {  	[tilespmem:s23+$0xC0] =	vst v4;
	v4 =	vld [tilespmem:s23+$0xD0]  }
0xa7: {  	v3 =	vmul.f32 v6, v3;
	v6 =	vld [tilespmem:s21+$0xD0]  }
0xa8: {  	v8 =	vld [tilespmem:s23+$0xFFFFFF50]  }
0xa9: {  	[tilespmem:s23+$0xFFFFFFC0] =	vst v3;
	v3 =	vld [tilespmem:s23+$0xFFFFFFD0];
	v1 =	vmul.f32 v2, v1  }
0xaa: {  	v2 =	vmul.f32 v5, v7;
	v5 =	vld [tilespmem:s21+$0xFFFFFFD0]  }
0xab: {  	[tilespmem:s23+$0x40] =	vst v1;
	v1 =	vld [tilespmem:s23+$0x50]  }
0xac: {  	[tilespmem:s23+$0xFFFFFF40] =	vst v2;
	v2 =	vld [tilespmem:s21+$0x50];
	v4 =	vmul.f32 v6, v4  }
0xad: {  	v6 =	vld [tilespmem:s21+$0xFFFFFF50]  }
0xae: {  	[tilespmem:s23+$0xD0] =	vst v4;
	v4 =	vld [tilespmem:s23+$0xE0]  }
0xaf: {  	v3 =	vmul.f32 v5, v3;
	v5 =	vld [tilespmem:s21+$0xE0]  }
0xb0: {  	v7 =	vld [tilespmem:s23+$0xFFFFFF60]  }
0xb1: {  	[tilespmem:s23+$0xFFFFFFD0] =	vst v3;
	v3 =	vld [tilespmem:s23+$0xFFFFFFE0];
	v1 =	vmul.f32 v2, v1  }
0xb2: {  	v2 =	vmul.f32 v6, v8;
	v6 =	vld [tilespmem:s21+$0xFFFFFFE0]  }
0xb3: {  	[tilespmem:s23+$0x50] =	vst v1;
	v8 =	vld [tilespmem:s23+$0x60]  }
0xb4: {  	[tilespmem:s23+$0xFFFFFF50] =	vst v2;
	v9 =	vld [tilespmem:s21+$0x60];
	v1 =	vmul.f32 v5, v4  }
0xb5: {  	v4 =	vld [tilespmem:s21+$0xFFFFFF60]  }
0xb6: {  	[tilespmem:s23+$0xE0] =	vst v1;
	v10 =	vld [tilespmem:s23+$0xF0]  }
0xb7: {  	v2 =	vmul.f32 v6, v3;
	v6 =	vld [tilespmem:s21+$0xF0]  }
0xb8: {  	v1 =	vld [tilespmem:s23+$0xFFFFFF70]  }
.Ltmp2:
0xb9: {  	[tilespmem:s23+$0xFFFFFFE0] =	vst v2;
	v2 =	vld [tilespmem:s23+$0xFFFFFFF0];
	v3 =	vmul.f32 v9, v8;
	(pc) =	sbr.rel @p0 .LBB2_7-.Ltmp2, $4  }
0xba: {  	v5 =	vmul.f32 v4, v7;
	v4 =	vld [tilespmem:s21+$0xFFFFFFF0]  }
0xbb: {  	[tilespmem:s23+$0x60] =	vst v3;
	v3 =	vld [tilespmem:s23+$0x70]  }
0xbc: {  	[tilespmem:s23+$0xFFFFFF60] =	vst v5;
	v5 =	vld [tilespmem:s21+$0x70];
	v7 =	vmul.f32 v6, v10  }
0xbd: {  	s23 =	sadd.s32 $0x200, s23;
	v6 =	vld [tilespmem:s21+$0xFFFFFF70]  }
0xbe: {  	_ =	sdelay $0x1  }
0xbf: {  	v2 =	vmul.f32 v4, v2  }
0xc0: {  	[tilespmem:s20+$0xF0] =	vst v7;
	v3 =	vmul.f32 v5, v3  }
0xc1: {  	s19 =	sadd.s32 $0x1, s19;
	[tilespmem:s20+$0xFFFFFFF0] =	vst v2;
	v1 =	vmul.f32 v6, v1  }
0xc2: {  	p0 =	sne.s32 s19, $0x28;
	[tilespmem:s20+$0x70] =	vst v3  }
.Ltmp3:
0xc3: {  	[tilespmem:s20+$0xFFFFFF70] =	vst v1;
	(pc) =	sbr.rel @p0 .LBB2_6-.Ltmp3, $4  }
0xc4: {  	[spmem:s1] =	stream.indirect.scatter.add.f32 [tilespmem:s15], [sflag:$0x2], $0x80, s14, s14, $0xb8;
	[tilespmem:$0x1C900] =	vst v63  }
0xc5: {  	_ =	swait.ge [sflag:s13], $0x4000  }
0xc6: {  	[sflag:s13] =	ssyncset.done $0x0  }
0xc7: {  	[sflag:s13] =	ssyncadd.s32 $0xFFFFC000  }
0xc8: {  	s18 =	sadd.s32 $0x1, s18  }
0xc9: {  	s19 =	sshll.u32 s2, $0x6;
	[bflag:$0x0] =	sbarrier.arrive $0xFFFF;
	p0 =	sne.s32 s18, s11  }
.Ltmp4:
0xca: {  	s20 =	sshrl.u32 s9, $0x3;
	s19 =	sor.u32 $0x1C02, s19;
	(pc) =	sbr.rel @p0 .LBB2_1-.Ltmp4, $4  }
0xcb: {  	[hbm:s10], [sflag:s19] =	dma.local [spmem:s20], $0x2800  }
0xcc: {  	_ =	swait.ge [sflag:s13], $0x2800  }
0xcd: {  	[sflag:s13] =	ssyncset.done $0x0  }
0xce: {  	[sflag:s13] =	ssyncadd.s32 $0xFFFFD800  }
0xcf: {  	_ =	sfence.sel $0x180000  }
0xd0: {  	[bflag:$0x0] =	sbarrier.arrive $0xFFFF  }
0xd1: {  	p0 =	sne.s32 s2, $0x0;
	_ =	strace $0x9000004D  }
0xd2: {  	s0 =	sadd.s32 @!p0 $0x100000, s0;
	[bflag:$0x2] =	sbarrier.arrive $0xFFFF  }
0xd3: {  	[sflag:s0] =	ssyncadd.tile.s32 @!p0 $0x1;
	_ =	shalt  }
.Lfunc_end2:
_tile_overlayer_lowered:
.L_overlay_start_2:
0xd4: {  	(tag) =	ssettag $0x2  }
0xd5: {  	s0 =	rddreg [dreg:$0x0];
	s2 =	stileid.u32  }
0xd6: {  	s1 =	rddreg [dreg:$0x1];
	p0 =	sne.s32 s2, $0x0  }
0xd7: {  	s3 =	rddreg [dreg:$0x2];
	[bflag:$0x3] =	sbarrier.arrive $0xFFFF;
	s2 =	simm.s32 @!p0 $0x1C02  }
0xd8: {  	[timem:s3], [sflag:s2] =	dma.local @!p0 [hbm:s0], s1  }
0xd9: {  	s0 =	simm.s32 @!p0 $0x2  }
0xda: {  	_ =	swait.ge @!p0 [sflag:s0], s1  }
0xdb: {  	s1 =	ssub.s32 @!p0 $0x0, s1;
	[sflag:s0] =	ssyncset.done @!p0 $0x0  }
0xdc: {  	[sflag:s0] =	ssyncadd.s32 @!p0 s1  }
0xdd: {  	[bflag:$0x3] =	sbarrier.arrive $0xFFFF  }
0xde: {  	_ =	shalt  }

</sc_bundles>
